<compile_context>
chip_gen: v7x
topology: tpu7x:2x2x1
jax: 0.10.2.dev20260603
libtpu: 0.0.44.dev20260713+nightly
codegen_flags: <defaults>
</compile_context>

<pallas_src>
import functools

import jax
import jax.numpy as jnp
from jax import lax
from jax.experimental import pallas as pl
from jax.experimental.pallas import tpu as pltpu
from jax.experimental.pallas import tpu_sc as plsc

EPS = 1e-06
N = 262144
B = 1024
R = 1024
G = N // R
NW = 32
CH = N // NW
HALF_LN_2PI = 0.9189385332046727


def _stirling_pushed(x):
    small = x < 4.0
    xs = jnp.where(small, x, 1.0)
    p = jnp.where(small, xs * (xs + 1.0) * (xs + 2.0) * (xs + 3.0), 1.0)
    z = jnp.where(small, x + 4.0, x)
    r = 1.0 / z
    st = (z - 0.5) * jnp.log(z) - z + r * (1.0 / 12.0 - (r * r) * (1.0 / 360.0))
    return st, p


def _k1_body(hs_true_ref, hs_pred_ref, pks_true_ref, pks_pred_ref,
             lhs_ref, lpks_ref):
    yp = hs_pred_ref[...]
    mu = 1.0 / (1.0 + jnp.exp(-yp[:51]))
    ph_raw = yp[51:]
    phi = jnp.maximum(ph_raw, 0.0) + jnp.log(1.0 + jnp.exp(-jnp.abs(ph_raw)))
    y = jnp.clip(hs_true_ref[...], EPS, 1.0 - EPS)
    a = phi * mu
    b = (1.0 - mu) * phi
    st_c, p_c = _stirling_pushed(phi + EPS)
    st_a, p_a = _stirling_pushed(a + EPS)
    st_b, p_b = _stirling_pushed(b + EPS)
    loglik = (st_c - st_a - st_b - HALF_LN_2PI
              - jnp.log(p_c / (p_a * p_b))
              + a * jnp.log(y)
              + (b - 1.0) * jnp.log(1.0 - y))
    wneg = jnp.full((1, 51), -1.0 / 51.0, jnp.float32)
    lhs = lax.dot_general(wneg, loglik, (((1,), (0,)), ((), ())),
                          preferred_element_type=jnp.float32)
    lhs_ref[...] = lhs.reshape(R)

    pp = pks_pred_ref[...]
    pmu = pp[:8]
    plv = pp[8:] + EPS
    pt = pks_true_ref[...]
    lp = 0.5 * (plv + (pt - pmu) * (pt - pmu) * jnp.exp(-plv))
    ones = jnp.full((1, 8), 1.0, jnp.float32)
    lpk = lax.dot_general(ones, lp, (((1,), (0,)), ((), ())),
                          preferred_element_type=jnp.float32)
    lpks_ref[...] = lpk.reshape(R)


def _row_losses(y_hs_true, y_hs_pred, y_pks_true, y_pks_pred):
    out = pl.pallas_call(
        _k1_body,
        grid=(G,),
        in_specs=[
            pl.BlockSpec((51, R), lambda i: (0, i)),
            pl.BlockSpec((102, R), lambda i: (0, i)),
            pl.BlockSpec((8, R), lambda i: (0, i)),
            pl.BlockSpec((16, R), lambda i: (0, i)),
        ],
        out_specs=[
            pl.BlockSpec((R,), lambda i: (i,)),
            pl.BlockSpec((R,), lambda i: (i,)),
        ],
        out_shape=[
            jax.ShapeDtypeStruct((N,), jnp.float32),
            jax.ShapeDtypeStruct((N,), jnp.float32),
        ],
    )(y_hs_true.T, y_hs_pred.T, y_pks_true.T, y_pks_pred.T)
    return out[0], out[1]


def _seg_accumulate(vals_ref, ids_ref, acc_s_ref, acc_c_ref):
    lane = lax.iota(jnp.int32, 16)
    vones = jnp.full((16,), 1.0, jnp.float32)

    def body(i, carry):
        d = ids_ref[pl.ds(i * 16, 16)]
        v = vals_ref[pl.ds(i * 16, 16)]
        plsc.addupdate_scatter(acc_s_ref, [lane, d], v)
        plsc.addupdate_scatter(acc_c_ref, [lane, d], vones)
        return carry

    lax.fori_loop(0, CH // 16, body, 0)


def _k2_body(lhs_hbm, hs_ids_hbm, lpks_hbm, pks_ids_hbm, parts_hbm,
             vals_v, ids_v, acc_hs_s, acc_hs_c, acc_pks_s, acc_pks_c):
    wid = lax.axis_index("s") * 2 + lax.axis_index("c")
    base = wid * CH
    z16 = jnp.zeros((16,), jnp.float32)

    def zbody(j, c):
        r = j // (B // 16)
        col = (j % (B // 16)) * 16
        acc_hs_s[r, pl.ds(col, 16)] = z16
        acc_hs_c[r, pl.ds(col, 16)] = z16
        acc_pks_s[r, pl.ds(col, 16)] = z16
        acc_pks_c[r, pl.ds(col, 16)] = z16
        return c

    lax.fori_loop(0, 16 * (B // 16), zbody, 0)

    pltpu.sync_copy(lhs_hbm.at[pl.ds(base, CH)], vals_v)
    pltpu.sync_copy(hs_ids_hbm.at[pl.ds(base, CH)], ids_v)
    _seg_accumulate(vals_v, ids_v, acc_hs_s, acc_hs_c)

    pltpu.sync_copy(lpks_hbm.at[pl.ds(base, CH)], vals_v)
    pltpu.sync_copy(pks_ids_hbm.at[pl.ds(base, CH)], ids_v)
    _seg_accumulate(vals_v, ids_v, acc_pks_s, acc_pks_c)

    pltpu.sync_copy(acc_hs_s, parts_hbm.at[wid])
    pltpu.sync_copy(acc_hs_c, parts_hbm.at[NW + wid])
    pltpu.sync_copy(acc_pks_s, parts_hbm.at[2 * NW + wid])
    pltpu.sync_copy(acc_pks_c, parts_hbm.at[3 * NW + wid])


def _segment_partials(l_hs, hs_ids, l_pks, pks_ids):
    mesh = plsc.VectorSubcoreMesh(core_axis_name="c", subcore_axis_name="s")
    k2 = functools.partial(
        pl.kernel,
        mesh=mesh,
        compiler_params=pltpu.CompilerParams(needs_layout_passes=False),
        out_type=jax.ShapeDtypeStruct((4 * NW, 16, B), jnp.float32),
        scratch_types=[
            pltpu.VMEM((CH,), jnp.float32),
            pltpu.VMEM((CH,), jnp.int32),
            pltpu.VMEM((16, B), jnp.float32),
            pltpu.VMEM((16, B), jnp.float32),
            pltpu.VMEM((16, B), jnp.float32),
            pltpu.VMEM((16, B), jnp.float32),
        ],
    )(_k2_body)
    return k2(l_hs, hs_ids, l_pks, pks_ids)


def _k3_body(parts_ref, pI_true_ref, pI_pred_ref, out_ref):
    P = parts_ref[...]
    hs_s = jnp.sum(P[0:NW], axis=(0, 1), keepdims=False)[None, :]
    hs_c = jnp.sum(P[NW:2 * NW], axis=(0, 1), keepdims=False)[None, :]
    pks_s = jnp.sum(P[2 * NW:3 * NW], axis=(0, 1), keepdims=False)[None, :]
    pks_c = jnp.sum(P[3 * NW:4 * NW], axis=(0, 1), keepdims=False)[None, :]
    hs_m = jnp.sum(hs_s / jnp.maximum(hs_c, 1.0)) / B
    pks_m = jnp.sum(pks_s / jnp.maximum(pks_c, 1.0)) / B

    pp = pI_pred_ref[...]
    pmu = pp[:8]
    plv = pp[8:] + EPS
    pt = pI_true_ref[...]
    lp = 0.5 * (plv + (pt - pmu) * (pt - pmu) * jnp.exp(-plv))
    pI_m = jnp.sum(lp) / B

    sub = lax.broadcasted_iota(jnp.int32, (8, 128), 0)
    lane = lax.broadcasted_iota(jnp.int32, (8, 128), 1)
    out = jnp.where((sub == 0) & (lane == 0), hs_m, 0.0)
    out = out + jnp.where((sub == 0) & (lane == 1), pks_m, 0.0)
    out = out + jnp.where((sub == 0) & (lane == 2), pI_m, 0.0)
    out_ref[...] = out


def _combine(parts, y_pI_true, y_pI_pred):
    return pl.pallas_call(
        _k3_body,
        out_shape=jax.ShapeDtypeStruct((8, 128), jnp.float32),
    )(parts, y_pI_true.T, y_pI_pred.T)


def kernel(y_hs_true, y_hs_pred, y_hs_batch, y_pks_true, y_pks_pred,
           y_pks_batch, y_pI_true, y_pI_pred):
    l_hs, l_pks = _row_losses(y_hs_true, y_hs_pred, y_pks_true, y_pks_pred)
    parts = _segment_partials(l_hs, y_hs_batch.astype(jnp.int32),
                              l_pks, y_pks_batch.astype(jnp.int32))
    out = _combine(parts, y_pI_true, y_pI_pred)
    return (out[0, :3], jnp.zeros(1), jnp.zeros(1))

# --- scband reference (transcript-rebuilt; emitter-appended) ---
"""Pipeline reference for scband-probabilistic-multitask-loss-28166395527431 (READ-ONLY COPY).

The authoritative reference and input builder live on the scoring server;
editing this copy changes nothing except your own understanding.
"""

import jax, jax.numpy as jnp
import numpy as np
from jax.scipy.special import gammaln

EPS = 1e-06
N_HS = 262144
N_PKS = 262144
B = 1024


def beta_nll_loss(y_pred, y_true, eps=EPS):
    mu, phi = jnp.split(y_pred, 2, axis=-1)
    mu = jax.nn.sigmoid(mu)
    phi = jax.nn.softplus(phi)
    y_true = jnp.clip(y_true, eps, 1 - eps)
    loglik = (gammaln(phi + eps)
              - gammaln(phi * mu + eps)
              - gammaln((1 - mu) * phi + eps)
              + mu * phi * jnp.log(y_true)
              + ((1 - mu) * phi - 1) * jnp.log(1 - y_true))
    return -loglik


def gaussian_nll_loss(y_pred, y_true, eps=EPS):
    mu, logvar = jnp.split(y_pred, 2, axis=-1)
    logvar = logvar + eps
    loss = 0.5 * (logvar + (y_true - mu) ** 2 / jnp.exp(logvar))
    loss = loss.reshape(y_pred.shape[0], -1)
    return loss.sum(axis=-1)


def scatter_mean(x, idx, num_segments):
    s = jax.ops.segment_sum(x, idx, num_segments=num_segments)
    c = jax.ops.segment_sum(jnp.ones_like(x), idx, num_segments=num_segments)
    return s / jnp.maximum(c, 1.0)


def setup_inputs(seed: int = 0) -> dict:
    key = jax.random.key(seed)
    ks = jax.random.split(key, 8)
    y_hs_true = jax.random.uniform(ks[0], (N_HS, 51), dtype=jnp.float32)
    y_hs_pred = jax.random.normal(ks[1], (N_HS, 102), dtype=jnp.float32)
    y_hs_batch = jnp.sort(jax.random.randint(ks[2], (N_HS,), 0, B))
    y_pks_true = jax.random.normal(ks[3], (N_PKS, 8), dtype=jnp.float32)
    y_pks_pred = jax.random.normal(ks[4], (N_PKS, 16), dtype=jnp.float32)
    y_pks_batch = jnp.sort(jax.random.randint(ks[5], (N_PKS,), 0, B))
    y_pI_true = jax.random.normal(ks[6], (B, 8), dtype=jnp.float32)
    y_pI_pred = jax.random.normal(ks[7], (B, 16), dtype=jnp.float32)
    return {
        'y_hs_true': y_hs_true,
        'y_hs_pred': y_hs_pred,
        'y_hs_batch': y_hs_batch,
        'y_pks_true': y_pks_true,
        'y_pks_pred': y_pks_pred,
        'y_pks_batch': y_pks_batch,
        'y_pI_true': y_pI_true,
        'y_pI_pred': y_pI_pred,
    }


def reference(y_hs_true, y_hs_pred, y_hs_batch, y_pks_true, y_pks_pred,
              y_pks_batch, y_pI_true, y_pI_pred):
    num_segments = y_pI_true.shape[0]
    # hs task: beta NLL, mean over 51 targets, scatter_mean over molecules
    loss_hs = beta_nll_loss(y_hs_pred, y_hs_true)
    loss_hs = loss_hs.mean(axis=-1)
    loss_hs = scatter_mean(loss_hs, y_hs_batch, num_segments)
    # pks task: gaussian NLL (summed over out_dim), scatter_mean over molecules
    loss_pks = gaussian_nll_loss(y_pks_pred, y_pks_true)
    loss_pks = scatter_mean(loss_pks, y_pks_batch, num_segments)
    # pI task: per-molecule gaussian NLL
    loss_pI = gaussian_nll_loss(y_pI_pred, y_pI_true)
    multitask_loss = jnp.stack([loss_hs, loss_pks, loss_pI], axis=-1)
    multitask_loss = multitask_loss.mean(axis=0)
    return (multitask_loss, jnp.zeros(1), jnp.zeros(1))

if __name__ == "__main__":
    import jax
    _d = setup_inputs()
    print(jax.jit(kernel)(*tuple(_d.values())))

</pallas_src>

<mosaic_0001>
#map = affine_map<(d0, d1) -> (0)>
#map1 = affine_map<(d0, d1) -> (0, 0, 0)>
module attributes {stable_mosaic.version = 14 : i64} {
  func.func @_k2_body(%arg0: i32, %arg1: i32, %arg2: memref<262144xf32, #tpu.memory_space<hbm>>, %arg3: memref<262144xi32, #tpu.memory_space<hbm>>, %arg4: memref<262144xf32, #tpu.memory_space<hbm>>, %arg5: memref<262144xi32, #tpu.memory_space<hbm>>, %arg6: memref<128x16x1024xf32, #tpu.memory_space<hbm>>, %arg7: memref<8192xf32, #tpu.memory_space<vmem>>, %arg8: memref<8192xi32, #tpu.memory_space<vmem>>, %arg9: memref<16x1024xf32, #tpu.memory_space<vmem>>, %arg10: memref<16x1024xf32, #tpu.memory_space<vmem>>, %arg11: memref<16x1024xf32, #tpu.memory_space<vmem>>, %arg12: memref<16x1024xf32, #tpu.memory_space<vmem>>) attributes {dimension_semantics = [#tpu.dimension_semantics<core_parallel>, #tpu.dimension_semantics<subcore_parallel>], iteration_bounds = array<i64: 2, 16>, scalar_prefetch = 0 : i64, scratch_operands = 6 : i64, tpu.core_type = #tpu.core_type<sc_vector_subcore>, window_params = [{transform_indices = #map}, {transform_indices = #map}, {transform_indices = #map}, {transform_indices = #map}, {transform_indices = #map1}]} {
    %mul3A = arith.constant 2 : i32
    %mul3A_0 = arith.muli %arg1, %mul3A : i32
    %add3A = arith.addi %mul3A_0, %arg0 : i32
    %mul3A_1 = arith.constant 8192 : i32
    %mul3A_2 = arith.muli %add3A, %mul3A_1 : i32
    %broadcast_in_dim3A = arith.constant 0.000000e+00 : f32
    %broadcast_in_dim3A_3 = vector.broadcast %broadcast_in_dim3A : f32 to vector<16xf32>
    %scan3A = arith.constant 0 : i32
    %scan3A_4 = arith.constant 0 : i32
    %scan3A_5 = arith.constant 1024 : i32
    %scan3A_6 = arith.addi %scan3A_4, %scan3A_5 : i32
    %scan3A_7 = arith.constant 1 : i32
    scf.for %scan3A_32 = %scan3A_4 to %scan3A_6 step %scan3A_7  : i32 {
      %jit3A = arith.constant 64 : i32
      %div3A = arith.divsi %scan3A_32, %jit3A : i32
      %sign3A = arith.constant 0 : i32
      %sign3A_33 = arith.cmpi sgt, %scan3A_32, %sign3A : i32
      %sign3A_34 = arith.extui %sign3A_33 : i1 to i32
      %sign3A_35 = arith.constant 0 : i32
      %sign3A_36 = arith.cmpi slt, %scan3A_32, %sign3A_35 : i32
      %sign3A_37 = arith.extui %sign3A_36 : i1 to i32
      %sign3A_38 = arith.subi %sign3A_34, %sign3A_37 : i32
      %sign3A_39 = arith.constant 0 : i32
      %sign3A_40 = arith.cmpi sgt, %jit3A, %sign3A_39 : i32
      %sign3A_41 = arith.extui %sign3A_40 : i1 to i32
      %sign3A_42 = arith.constant 0 : i32
      %sign3A_43 = arith.cmpi slt, %jit3A, %sign3A_42 : i32
      %sign3A_44 = arith.extui %sign3A_43 : i1 to i32
      %sign3A_45 = arith.subi %sign3A_41, %sign3A_44 : i32
      %ne3A = arith.cmpi ne, %sign3A_38, %sign3A_45 : i32
      %rem3A = arith.remsi %scan3A_32, %jit3A : i32
      %ne3A_46 = arith.constant 0 : i32
      %ne3A_47 = arith.cmpi ne, %rem3A, %ne3A_46 : i32
      %and3A = arith.andi %ne3A, %ne3A_47 : i1
      %sub3A = arith.constant 1 : i32
      %sub3A_48 = arith.subi %div3A, %sub3A : i32
      %select_n3A = arith.select %and3A, %sub3A_48, %div3A : i32
      %jit3A_49 = arith.constant 64 : i32
      %eq3A = arith.constant 0 : i32
      %eq3A_50 = arith.cmpi eq, %jit3A_49, %eq3A : i32
      %jit3A_51 = arith.constant 1 : i32
      %select_n3A_52 = arith.select %eq3A_50, %jit3A_51, %jit3A_49 : i32
      %rem3A_53 = arith.remsi %scan3A_32, %select_n3A_52 : i32
      %ne3A_54 = arith.constant 0 : i32
      %ne3A_55 = arith.cmpi ne, %rem3A_53, %ne3A_54 : i32
      %lt3A = arith.constant 0 : i32
      %lt3A_56 = arith.cmpi slt, %rem3A_53, %lt3A : i32
      %lt3A_57 = arith.constant 0 : i32
      %lt3A_58 = arith.cmpi slt, %select_n3A_52, %lt3A_57 : i32
      %ne3A_59 = arith.xori %lt3A_56, %lt3A_58 : i1
      %and3A_60 = arith.andi %ne3A_59, %ne3A_55 : i1
      %add3A_61 = arith.addi %rem3A_53, %select_n3A_52 : i32
      %select_n3A_62 = arith.select %and3A_60, %add3A_61, %rem3A_53 : i32
      %mul3A_63 = arith.constant 16 : i32
      %mul3A_64 = arith.muli %select_n3A_62, %mul3A_63 : i32
      %swap3A = arith.index_cast %select_n3A : i32 to index
      %swap3A_65 = arith.index_cast %mul3A_64 : i32 to index
      %swap3A_66 = tpu.vector_load %arg9[%swap3A, %swap3A_65] {strides = array<i32>} : memref<16x1024xf32, #tpu.memory_space<vmem>>, vector<16xf32>,
      tpu.vector_store %arg9[%swap3A, %swap3A_65], %broadcast_in_dim3A_3 {strides = array<i32>} : memref<16x1024xf32, #tpu.memory_space<vmem>>, vector<16xf32>,
      %swap3A_67 = arith.index_cast %select_n3A : i32 to index
      %swap3A_68 = arith.index_cast %mul3A_64 : i32 to index
      %swap3A_69 = tpu.vector_load %arg10[%swap3A_67, %swap3A_68] {strides = array<i32>} : memref<16x1024xf32, #tpu.memory_space<vmem>>, vector<16xf32>,
      tpu.vector_store %arg10[%swap3A_67, %swap3A_68], %broadcast_in_dim3A_3 {strides = array<i32>} : memref<16x1024xf32, #tpu.memory_space<vmem>>, vector<16xf32>,
      %swap3A_70 = arith.index_cast %select_n3A : i32 to index
      %swap3A_71 = arith.index_cast %mul3A_64 : i32 to index
      %swap3A_72 = tpu.vector_load %arg11[%swap3A_70, %swap3A_71] {strides = array<i32>} : memref<16x1024xf32, #tpu.memory_space<vmem>>, vector<16xf32>,
      tpu.vector_store %arg11[%swap3A_70, %swap3A_71], %broadcast_in_dim3A_3 {strides = array<i32>} : memref<16x1024xf32, #tpu.memory_space<vmem>>, vector<16xf32>,
      %swap3A_73 = arith.index_cast %select_n3A : i32 to index
      %swap3A_74 = arith.index_cast %mul3A_64 : i32 to index
      %swap3A_75 = tpu.vector_load %arg12[%swap3A_73, %swap3A_74] {strides = array<i32>} : memref<16x1024xf32, #tpu.memory_space<vmem>>, vector<16xf32>,
      tpu.vector_store %arg12[%swap3A_73, %swap3A_74], %broadcast_in_dim3A_3 {strides = array<i32>} : memref<16x1024xf32, #tpu.memory_space<vmem>>, vector<16xf32>,
    }
    %scan3A_8 = arith.constant 1024 : i32
    "tpu.region"() ({
      %run_scoped3A = tpu.sem_alloc : memref<!tpu.dma_semaphore, #tpu.memory_space<semaphore_mem>>
      %dma_start3A = tpu.memref_slice %arg2[%mul3A_2] : memref<262144xf32, #tpu.memory_space<hbm>> -> memref<8192xf32, #tpu.memory_space<hbm>>
      %dma_start3A_32 = tpu.memref_slice %arg2[%mul3A_2] : memref<262144xf32, #tpu.memory_space<hbm>> -> memref<8192xf32, #tpu.memory_space<hbm>>
      tpu.enqueue_dma source(%dma_start3A_32 : memref<8192xf32, #tpu.memory_space<hbm>>) target(%arg7 : memref<8192xf32, #tpu.memory_space<vmem>>) target_semaphore(%run_scoped3A : memref<!tpu.dma_semaphore, #tpu.memory_space<semaphore_mem>>)
      %dma_wait3A = tpu.memref_slice %arg2[%mul3A_2] : memref<262144xf32, #tpu.memory_space<hbm>> -> memref<8192xf32, #tpu.memory_space<hbm>>
      %dma_wait3A_33 = tpu.memref_slice %arg2[%mul3A_2] : memref<262144xf32, #tpu.memory_space<hbm>> -> memref<8192xf32, #tpu.memory_space<hbm>>
      tpu.wait_dma2 semaphore(%run_scoped3A : memref<!tpu.dma_semaphore, #tpu.memory_space<semaphore_mem>>) src(%dma_wait3A_33 : memref<8192xf32, #tpu.memory_space<hbm>>) dst(%arg7 : memref<8192xf32, #tpu.memory_space<vmem>>)
      tpu.yield
    }) : () -> ()
    "tpu.region"() ({
      %run_scoped3A = tpu.sem_alloc : memref<!tpu.dma_semaphore, #tpu.memory_space<semaphore_mem>>
      %dma_start3A = tpu.memref_slice %arg3[%mul3A_2] : memref<262144xi32, #tpu.memory_space<hbm>> -> memref<8192xi32, #tpu.memory_space<hbm>>
      %dma_start3A_32 = tpu.memref_slice %arg3[%mul3A_2] : memref<262144xi32, #tpu.memory_space<hbm>> -> memref<8192xi32, #tpu.memory_space<hbm>>
      tpu.enqueue_dma source(%dma_start3A_32 : memref<8192xi32, #tpu.memory_space<hbm>>) target(%arg8 : memref<8192xi32, #tpu.memory_space<vmem>>) target_semaphore(%run_scoped3A : memref<!tpu.dma_semaphore, #tpu.memory_space<semaphore_mem>>)
      %dma_wait3A = tpu.memref_slice %arg3[%mul3A_2] : memref<262144xi32, #tpu.memory_space<hbm>> -> memref<8192xi32, #tpu.memory_space<hbm>>
      %dma_wait3A_33 = tpu.memref_slice %arg3[%mul3A_2] : memref<262144xi32, #tpu.memory_space<hbm>> -> memref<8192xi32, #tpu.memory_space<hbm>>
      tpu.wait_dma2 semaphore(%run_scoped3A : memref<!tpu.dma_semaphore, #tpu.memory_space<semaphore_mem>>) src(%dma_wait3A_33 : memref<8192xi32, #tpu.memory_space<hbm>>) dst(%arg8 : memref<8192xi32, #tpu.memory_space<vmem>>)
      tpu.yield
    }) : () -> ()
    %iota3A = tpu.iota {dimensions = array<i32: 0>} : vector<16xi32>
    %broadcast_in_dim3A_9 = arith.constant 1.000000e+00 : f32
    %broadcast_in_dim3A_10 = vector.broadcast %broadcast_in_dim3A_9 : f32 to vector<16xf32>
    %scan3A_11 = arith.constant 0 : i32
    %scan3A_12 = arith.constant 0 : i32
    %scan3A_13 = arith.constant 512 : i32
    %scan3A_14 = arith.addi %scan3A_12, %scan3A_13 : i32
    %scan3A_15 = arith.constant 1 : i32
    scf.for %scan3A_32 = %scan3A_12 to %scan3A_14 step %scan3A_15  : i32 {
      %mul3A_33 = arith.constant 16 : i32
      %mul3A_34 = arith.muli %scan3A_32, %mul3A_33 : i32
      %get3A = arith.index_cast %mul3A_34 : i32 to index
      %get3A_35 = tpu.vector_load %arg8[%get3A] {strides = array<i32>} : memref<8192xi32, #tpu.memory_space<vmem>>, vector<16xi32>,
      %mul3A_36 = arith.constant 16 : i32
      %mul3A_37 = arith.muli %scan3A_32, %mul3A_36 : i32
      %get3A_38 = arith.index_cast %mul3A_37 : i32 to index
      %get3A_39 = tpu.vector_load %arg7[%get3A_38] {strides = array<i32>} : memref<8192xf32, #tpu.memory_space<vmem>>, vector<16xf32>,
      tpu.vector_store_idx %arg9[%iota3A, %get3A_35], %get3A_39 {add = true} : memref<16x1024xf32, #tpu.memory_space<vmem>>[vector<16xi32>, vector<16xi32>], vector<16xf32>,
      tpu.vector_store_idx %arg10[%iota3A, %get3A_35], %broadcast_in_dim3A_10 {add = true} : memref<16x1024xf32, #tpu.memory_space<vmem>>[vector<16xi32>, vector<16xi32>], vector<16xf32>,
    }
    %scan3A_16 = arith.constant 512 : i32
    "tpu.region"() ({
      %run_scoped3A = tpu.sem_alloc : memref<!tpu.dma_semaphore, #tpu.memory_space<semaphore_mem>>
      %dma_start3A = tpu.memref_slice %arg4[%mul3A_2] : memref<262144xf32, #tpu.memory_space<hbm>> -> memref<8192xf32, #tpu.memory_space<hbm>>
      %dma_start3A_32 = tpu.memref_slice %arg4[%mul3A_2] : memref<262144xf32, #tpu.memory_space<hbm>> -> memref<8192xf32, #tpu.memory_space<hbm>>
      tpu.enqueue_dma source(%dma_start3A_32 : memref<8192xf32, #tpu.memory_space<hbm>>) target(%arg7 : memref<8192xf32, #tpu.memory_space<vmem>>) target_semaphore(%run_scoped3A : memref<!tpu.dma_semaphore, #tpu.memory_space<semaphore_mem>>)
      %dma_wait3A = tpu.memref_slice %arg4[%mul3A_2] : memref<262144xf32, #tpu.memory_space<hbm>> -> memref<8192xf32, #tpu.memory_space<hbm>>
      %dma_wait3A_33 = tpu.memref_slice %arg4[%mul3A_2] : memref<262144xf32, #tpu.memory_space<hbm>> -> memref<8192xf32, #tpu.memory_space<hbm>>
      tpu.wait_dma2 semaphore(%run_scoped3A : memref<!tpu.dma_semaphore, #tpu.memory_space<semaphore_mem>>) src(%dma_wait3A_33 : memref<8192xf32, #tpu.memory_space<hbm>>) dst(%arg7 : memref<8192xf32, #tpu.memory_space<vmem>>)
      tpu.yield
    }) : () -> ()
    "tpu.region"() ({
      %run_scoped3A = tpu.sem_alloc : memref<!tpu.dma_semaphore, #tpu.memory_space<semaphore_mem>>
      %dma_start3A = tpu.memref_slice %arg5[%mul3A_2] : memref<262144xi32, #tpu.memory_space<hbm>> -> memref<8192xi32, #tpu.memory_space<hbm>>
      %dma_start3A_32 = tpu.memref_slice %arg5[%mul3A_2] : memref<262144xi32, #tpu.memory_space<hbm>> -> memref<8192xi32, #tpu.memory_space<hbm>>
      tpu.enqueue_dma source(%dma_start3A_32 : memref<8192xi32, #tpu.memory_space<hbm>>) target(%arg8 : memref<8192xi32, #tpu.memory_space<vmem>>) target_semaphore(%run_scoped3A : memref<!tpu.dma_semaphore, #tpu.memory_space<semaphore_mem>>)
      %dma_wait3A = tpu.memref_slice %arg5[%mul3A_2] : memref<262144xi32, #tpu.memory_space<hbm>> -> memref<8192xi32, #tpu.memory_space<hbm>>
      %dma_wait3A_33 = tpu.memref_slice %arg5[%mul3A_2] : memref<262144xi32, #tpu.memory_space<hbm>> -> memref<8192xi32, #tpu.memory_space<hbm>>
      tpu.wait_dma2 semaphore(%run_scoped3A : memref<!tpu.dma_semaphore, #tpu.memory_space<semaphore_mem>>) src(%dma_wait3A_33 : memref<8192xi32, #tpu.memory_space<hbm>>) dst(%arg8 : memref<8192xi32, #tpu.memory_space<vmem>>)
      tpu.yield
    }) : () -> ()
    %iota3A_17 = tpu.iota {dimensions = array<i32: 0>} : vector<16xi32>
    %broadcast_in_dim3A_18 = arith.constant 1.000000e+00 : f32
    %broadcast_in_dim3A_19 = vector.broadcast %broadcast_in_dim3A_18 : f32 to vector<16xf32>
    %scan3A_20 = arith.constant 0 : i32
    %scan3A_21 = arith.constant 0 : i32
    %scan3A_22 = arith.constant 512 : i32
    %scan3A_23 = arith.addi %scan3A_21, %scan3A_22 : i32
    %scan3A_24 = arith.constant 1 : i32
    scf.for %scan3A_32 = %scan3A_21 to %scan3A_23 step %scan3A_24  : i32 {
      %mul3A_33 = arith.constant 16 : i32
      %mul3A_34 = arith.muli %scan3A_32, %mul3A_33 : i32
      %get3A = arith.index_cast %mul3A_34 : i32 to index
      %get3A_35 = tpu.vector_load %arg8[%get3A] {strides = array<i32>} : memref<8192xi32, #tpu.memory_space<vmem>>, vector<16xi32>,
      %mul3A_36 = arith.constant 16 : i32
      %mul3A_37 = arith.muli %scan3A_32, %mul3A_36 : i32
      %get3A_38 = arith.index_cast %mul3A_37 : i32 to index
      %get3A_39 = tpu.vector_load %arg7[%get3A_38] {strides = array<i32>} : memref<8192xf32, #tpu.memory_space<vmem>>, vector<16xf32>,
      tpu.vector_store_idx %arg11[%iota3A_17, %get3A_35], %get3A_39 {add = true} : memref<16x1024xf32, #tpu.memory_space<vmem>>[vector<16xi32>, vector<16xi32>], vector<16xf32>,
      tpu.vector_store_idx %arg12[%iota3A_17, %get3A_35], %broadcast_in_dim3A_19 {add = true} : memref<16x1024xf32, #tpu.memory_space<vmem>>[vector<16xi32>, vector<16xi32>], vector<16xf32>,
    }
    %scan3A_25 = arith.constant 512 : i32
    "tpu.region"() ({
      %run_scoped3A = tpu.sem_alloc : memref<!tpu.dma_semaphore, #tpu.memory_space<semaphore_mem>>
      %dma_start3A = arith.constant 0 : i32
      %dma_start3A_32 = arith.constant 0 : i32
      %dma_start3A_33 = tpu.memref_slice %arg6[%add3A, %dma_start3A, %dma_start3A_32] : memref<128x16x1024xf32, #tpu.memory_space<hbm>> -> memref<1x16x1024xf32, #tpu.memory_space<hbm>>
      %dma_start3A_34 = tpu.memref_squeeze %dma_start3A_33 : memref<1x16x1024xf32, #tpu.memory_space<hbm>> -> memref<16x1024xf32, #tpu.memory_space<hbm>>
      %dma_start3A_35 = arith.constant 0 : i32
      %dma_start3A_36 = arith.constant 0 : i32
      %dma_start3A_37 = tpu.memref_slice %arg6[%add3A, %dma_start3A_35, %dma_start3A_36] : memref<128x16x1024xf32, #tpu.memory_space<hbm>> -> memref<1x16x1024xf32, #tpu.memory_space<hbm>>
      %dma_start3A_38 = tpu.memref_squeeze %dma_start3A_37 : memref<1x16x1024xf32, #tpu.memory_space<hbm>> -> memref<16x1024xf32, #tpu.memory_space<hbm>>
      tpu.enqueue_dma source(%arg9 : memref<16x1024xf32, #tpu.memory_space<vmem>>) target(%dma_start3A_38 : memref<16x1024xf32, #tpu.memory_space<hbm>>) target_semaphore(%run_scoped3A : memref<!tpu.dma_semaphore, #tpu.memory_space<semaphore_mem>>)
      %dma_wait3A = arith.constant 0 : i32
      %dma_wait3A_39 = arith.constant 0 : i32
      %dma_wait3A_40 = tpu.memref_slice %arg6[%add3A, %dma_wait3A, %dma_wait3A_39] : memref<128x16x1024xf32, #tpu.memory_space<hbm>> -> memref<1x16x1024xf32, #tpu.memory_space<hbm>>
      %dma_wait3A_41 = tpu.memref_squeeze %dma_wait3A_40 : memref<1x16x1024xf32, #tpu.memory_space<hbm>> -> memref<16x1024xf32, #tpu.memory_space<hbm>>
      %dma_wait3A_42 = arith.constant 0 : i32
      %dma_wait3A_43 = arith.constant 0 : i32
      %dma_wait3A_44 = tpu.memref_slice %arg6[%add3A, %dma_wait3A_42, %dma_wait3A_43] : memref<128x16x1024xf32, #tpu.memory_space<hbm>> -> memref<1x16x1024xf32, #tpu.memory_space<hbm>>
      %dma_wait3A_45 = tpu.memref_squeeze %dma_wait3A_44 : memref<1x16x1024xf32, #tpu.memory_space<hbm>> -> memref<16x1024xf32, #tpu.memory_space<hbm>>
      tpu.wait_dma2 semaphore(%run_scoped3A : memref<!tpu.dma_semaphore, #tpu.memory_space<semaphore_mem>>) src(%arg9 : memref<16x1024xf32, #tpu.memory_space<vmem>>) dst(%dma_wait3A_45 : memref<16x1024xf32, #tpu.memory_space<hbm>>)
      tpu.yield
    }) : () -> ()
    %add3A_26 = arith.constant 32 : i32
    %add3A_27 = arith.addi %add3A_26, %add3A : i32
    "tpu.region"() ({
      %run_scoped3A = tpu.sem_alloc : memref<!tpu.dma_semaphore, #tpu.memory_space<semaphore_mem>>
      %dma_start3A = arith.constant 0 : i32
      %dma_start3A_32 = arith.constant 0 : i32
      %dma_start3A_33 = tpu.memref_slice %arg6[%add3A_27, %dma_start3A, %dma_start3A_32] : memref<128x16x1024xf32, #tpu.memory_space<hbm>> -> memref<1x16x1024xf32, #tpu.memory_space<hbm>>
      %dma_start3A_34 = tpu.memref_squeeze %dma_start3A_33 : memref<1x16x1024xf32, #tpu.memory_space<hbm>> -> memref<16x1024xf32, #tpu.memory_space<hbm>>
      %dma_start3A_35 = arith.constant 0 : i32
      %dma_start3A_36 = arith.constant 0 : i32
      %dma_start3A_37 = tpu.memref_slice %arg6[%add3A_27, %dma_start3A_35, %dma_start3A_36] : memref<128x16x1024xf32, #tpu.memory_space<hbm>> -> memref<1x16x1024xf32, #tpu.memory_space<hbm>>
      %dma_start3A_38 = tpu.memref_squeeze %dma_start3A_37 : memref<1x16x1024xf32, #tpu.memory_space<hbm>> -> memref<16x1024xf32, #tpu.memory_space<hbm>>
      tpu.enqueue_dma source(%arg10 : memref<16x1024xf32, #tpu.memory_space<vmem>>) target(%dma_start3A_38 : memref<16x1024xf32, #tpu.memory_space<hbm>>) target_semaphore(%run_scoped3A : memref<!tpu.dma_semaphore, #tpu.memory_space<semaphore_mem>>)
      %dma_wait3A = arith.constant 0 : i32
      %dma_wait3A_39 = arith.constant 0 : i32
      %dma_wait3A_40 = tpu.memref_slice %arg6[%add3A_27, %dma_wait3A, %dma_wait3A_39] : memref<128x16x1024xf32, #tpu.memory_space<hbm>> -> memref<1x16x1024xf32, #tpu.memory_space<hbm>>
      %dma_wait3A_41 = tpu.memref_squeeze %dma_wait3A_40 : memref<1x16x1024xf32, #tpu.memory_space<hbm>> -> memref<16x1024xf32, #tpu.memory_space<hbm>>
      %dma_wait3A_42 = arith.constant 0 : i32
      %dma_wait3A_43 = arith.constant 0 : i32
      %dma_wait3A_44 = tpu.memref_slice %arg6[%add3A_27, %dma_wait3A_42, %dma_wait3A_43] : memref<128x16x1024xf32, #tpu.memory_space<hbm>> -> memref<1x16x1024xf32, #tpu.memory_space<hbm>>
      %dma_wait3A_45 = tpu.memref_squeeze %dma_wait3A_44 : memref<1x16x1024xf32, #tpu.memory_space<hbm>> -> memref<16x1024xf32, #tpu.memory_space<hbm>>
      tpu.wait_dma2 semaphore(%run_scoped3A : memref<!tpu.dma_semaphore, #tpu.memory_space<semaphore_mem>>) src(%arg10 : memref<16x1024xf32, #tpu.memory_space<vmem>>) dst(%dma_wait3A_45 : memref<16x1024xf32, #tpu.memory_space<hbm>>)
      tpu.yield
    }) : () -> ()
    %add3A_28 = arith.constant 64 : i32
    %add3A_29 = arith.addi %add3A_28, %add3A : i32
    "tpu.region"() ({
      %run_scoped3A = tpu.sem_alloc : memref<!tpu.dma_semaphore, #tpu.memory_space<semaphore_mem>>
      %dma_start3A = arith.constant 0 : i32
      %dma_start3A_32 = arith.constant 0 : i32
      %dma_start3A_33 = tpu.memref_slice %arg6[%add3A_29, %dma_start3A, %dma_start3A_32] : memref<128x16x1024xf32, #tpu.memory_space<hbm>> -> memref<1x16x1024xf32, #tpu.memory_space<hbm>>
      %dma_start3A_34 = tpu.memref_squeeze %dma_start3A_33 : memref<1x16x1024xf32, #tpu.memory_space<hbm>> -> memref<16x1024xf32, #tpu.memory_space<hbm>>
      %dma_start3A_35 = arith.constant 0 : i32
      %dma_start3A_36 = arith.constant 0 : i32
      %dma_start3A_37 = tpu.memref_slice %arg6[%add3A_29, %dma_start3A_35, %dma_start3A_36] : memref<128x16x1024xf32, #tpu.memory_space<hbm>> -> memref<1x16x1024xf32, #tpu.memory_space<hbm>>
      %dma_start3A_38 = tpu.memref_squeeze %dma_start3A_37 : memref<1x16x1024xf32, #tpu.memory_space<hbm>> -> memref<16x1024xf32, #tpu.memory_space<hbm>>
      tpu.enqueue_dma source(%arg11 : memref<16x1024xf32, #tpu.memory_space<vmem>>) target(%dma_start3A_38 : memref<16x1024xf32, #tpu.memory_space<hbm>>) target_semaphore(%run_scoped3A : memref<!tpu.dma_semaphore, #tpu.memory_space<semaphore_mem>>)
      %dma_wait3A = arith.constant 0 : i32
      %dma_wait3A_39 = arith.constant 0 : i32
      %dma_wait3A_40 = tpu.memref_slice %arg6[%add3A_29, %dma_wait3A, %dma_wait3A_39] : memref<128x16x1024xf32, #tpu.memory_space<hbm>> -> memref<1x16x1024xf32, #tpu.memory_space<hbm>>
      %dma_wait3A_41 = tpu.memref_squeeze %dma_wait3A_40 : memref<1x16x1024xf32, #tpu.memory_space<hbm>> -> memref<16x1024xf32, #tpu.memory_space<hbm>>
      %dma_wait3A_42 = arith.constant 0 : i32
      %dma_wait3A_43 = arith.constant 0 : i32
      %dma_wait3A_44 = tpu.memref_slice %arg6[%add3A_29, %dma_wait3A_42, %dma_wait3A_43] : memref<128x16x1024xf32, #tpu.memory_space<hbm>> -> memref<1x16x1024xf32, #tpu.memory_space<hbm>>
      %dma_wait3A_45 = tpu.memref_squeeze %dma_wait3A_44 : memref<1x16x1024xf32, #tpu.memory_space<hbm>> -> memref<16x1024xf32, #tpu.memory_space<hbm>>
      tpu.wait_dma2 semaphore(%run_scoped3A : memref<!tpu.dma_semaphore, #tpu.memory_space<semaphore_mem>>) src(%arg11 : memref<16x1024xf32, #tpu.memory_space<vmem>>) dst(%dma_wait3A_45 : memref<16x1024xf32, #tpu.memory_space<hbm>>)
      tpu.yield
    }) : () -> ()
    %add3A_30 = arith.constant 96 : i32
    %add3A_31 = arith.addi %add3A_30, %add3A : i32
    "tpu.region"() ({
      %run_scoped3A = tpu.sem_alloc : memref<!tpu.dma_semaphore, #tpu.memory_space<semaphore_mem>>
      %dma_start3A = arith.constant 0 : i32
      %dma_start3A_32 = arith.constant 0 : i32
      %dma_start3A_33 = tpu.memref_slice %arg6[%add3A_31, %dma_start3A, %dma_start3A_32] : memref<128x16x1024xf32, #tpu.memory_space<hbm>> -> memref<1x16x1024xf32, #tpu.memory_space<hbm>>
      %dma_start3A_34 = tpu.memref_squeeze %dma_start3A_33 : memref<1x16x1024xf32, #tpu.memory_space<hbm>> -> memref<16x1024xf32, #tpu.memory_space<hbm>>
      %dma_start3A_35 = arith.constant 0 : i32
      %dma_start3A_36 = arith.constant 0 : i32
      %dma_start3A_37 = tpu.memref_slice %arg6[%add3A_31, %dma_start3A_35, %dma_start3A_36] : memref<128x16x1024xf32, #tpu.memory_space<hbm>> -> memref<1x16x1024xf32, #tpu.memory_space<hbm>>
      %dma_start3A_38 = tpu.memref_squeeze %dma_start3A_37 : memref<1x16x1024xf32, #tpu.memory_space<hbm>> -> memref<16x1024xf32, #tpu.memory_space<hbm>>
      tpu.enqueue_dma source(%arg12 : memref<16x1024xf32, #tpu.memory_space<vmem>>) target(%dma_start3A_38 : memref<16x1024xf32, #tpu.memory_space<hbm>>) target_semaphore(%run_scoped3A : memref<!tpu.dma_semaphore, #tpu.memory_space<semaphore_mem>>)
      %dma_wait3A = arith.constant 0 : i32
      %dma_wait3A_39 = arith.constant 0 : i32
      %dma_wait3A_40 = tpu.memref_slice %arg6[%add3A_31, %dma_wait3A, %dma_wait3A_39] : memref<128x16x1024xf32, #tpu.memory_space<hbm>> -> memref<1x16x1024xf32, #tpu.memory_space<hbm>>
      %dma_wait3A_41 = tpu.memref_squeeze %dma_wait3A_40 : memref<1x16x1024xf32, #tpu.memory_space<hbm>> -> memref<16x1024xf32, #tpu.memory_space<hbm>>
      %dma_wait3A_42 = arith.constant 0 : i32
      %dma_wait3A_43 = arith.constant 0 : i32
      %dma_wait3A_44 = tpu.memref_slice %arg6[%add3A_31, %dma_wait3A_42, %dma_wait3A_43] : memref<128x16x1024xf32, #tpu.memory_space<hbm>> -> memref<1x16x1024xf32, #tpu.memory_space<hbm>>
      %dma_wait3A_45 = tpu.memref_squeeze %dma_wait3A_44 : memref<1x16x1024xf32, #tpu.memory_space<hbm>> -> memref<16x1024xf32, #tpu.memory_space<hbm>>
      tpu.wait_dma2 semaphore(%run_scoped3A : memref<!tpu.dma_semaphore, #tpu.memory_space<semaphore_mem>>) src(%arg12 : memref<16x1024xf32, #tpu.memory_space<vmem>>) dst(%dma_wait3A_45 : memref<16x1024xf32, #tpu.memory_space<hbm>>)
      tpu.yield
    }) : () -> ()
    return
  }
}

module attributes {stable_mosaic.version = 14 : i64} {
  func.func @_k3_body(%arg0: memref<128x16x1024xf32, #tpu.memory_space<vmem>>, %arg1: memref<8x1024xf32, #tpu.memory_space<vmem>>, %arg2: memref<16x1024xf32, #tpu.memory_space<vmem>>, %arg3: memref<8x128xf32, #tpu.memory_space<vmem>>) attributes {dimension_semantics = [], scalar_prefetch = 0 : i64, scratch_operands = 0 : i64, tpu.core_type = #tpu.core_type<tc>} {
    %get3A = arith.constant 0 : index
    %get3A_0 = arith.constant 0 : index
    %get3A_1 = arith.constant 0 : index
    %get3A_2 = vector.load %arg0[%get3A, %get3A_0, %get3A_1] : memref<128x16x1024xf32, #tpu.memory_space<vmem>>, vector<128x16x1024xf32>
    %slice3A = vector.extract_strided_slice %get3A_2 {offsets = [0, 0, 0], sizes = [32, 16, 1024], strides = [1, 1, 1]} : vector<128x16x1024xf32> to vector<32x16x1024xf32>
    %reduce_sum3A = arith.constant dense<0.000000e+00> : vector<1024xf32>
    %reduce_sum3A_3 = vector.multi_reduction <add>, %slice3A, %reduce_sum3A [0, 1] : vector<32x16x1024xf32> to vector<1024xf32>
    %broadcast_in_dim3A = vector.shape_cast %reduce_sum3A_3 : vector<1024xf32> to vector<1x1024xf32>
    %slice3A_4 = vector.extract_strided_slice %get3A_2 {offsets = [32, 0, 0], sizes = [32, 16, 1024], strides = [1, 1, 1]} : vector<128x16x1024xf32> to vector<32x16x1024xf32>
    %reduce_sum3A_5 = arith.constant dense<0.000000e+00> : vector<1024xf32>
    %reduce_sum3A_6 = vector.multi_reduction <add>, %slice3A_4, %reduce_sum3A_5 [0, 1] : vector<32x16x1024xf32> to vector<1024xf32>
    %broadcast_in_dim3A_7 = vector.shape_cast %reduce_sum3A_6 : vector<1024xf32> to vector<1x1024xf32>
    %slice3A_8 = vector.extract_strided_slice %get3A_2 {offsets = [64, 0, 0], sizes = [32, 16, 1024], strides = [1, 1, 1]} : vector<128x16x1024xf32> to vector<32x16x1024xf32>
    %reduce_sum3A_9 = arith.constant dense<0.000000e+00> : vector<1024xf32>
    %reduce_sum3A_10 = vector.multi_reduction <add>, %slice3A_8, %reduce_sum3A_9 [0, 1] : vector<32x16x1024xf32> to vector<1024xf32>
    %broadcast_in_dim3A_11 = vector.shape_cast %reduce_sum3A_10 : vector<1024xf32> to vector<1x1024xf32>
    %slice3A_12 = vector.extract_strided_slice %get3A_2 {offsets = [96, 0, 0], sizes = [32, 16, 1024], strides = [1, 1, 1]} : vector<128x16x1024xf32> to vector<32x16x1024xf32>
    %reduce_sum3A_13 = arith.constant dense<0.000000e+00> : vector<1024xf32>
    %reduce_sum3A_14 = vector.multi_reduction <add>, %slice3A_12, %reduce_sum3A_13 [0, 1] : vector<32x16x1024xf32> to vector<1024xf32>
    %broadcast_in_dim3A_15 = vector.shape_cast %reduce_sum3A_14 : vector<1024xf32> to vector<1x1024xf32>
    %max3A = arith.constant 1.000000e+00 : f32
    %max3A_16 = vector.broadcast %max3A : f32 to vector<1x1024xf32>
    %max3A_17 = arith.maximumf %broadcast_in_dim3A_7, %max3A_16 : vector<1x1024xf32>
    %div3A = arith.divf %broadcast_in_dim3A, %max3A_17 : vector<1x1024xf32>
    %reduce_sum3A_18 = vector.shape_cast %div3A : vector<1x1024xf32> to vector<1x1x1024xf32>
    %reduce_sum3A_19 = arith.constant dense<0.000000e+00> : vector<1xf32>
    %reduce_sum3A_20 = vector.multi_reduction <add>, %reduce_sum3A_18, %reduce_sum3A_19 [1, 2] : vector<1x1x1024xf32> to vector<1xf32>
    %reduce_sum3A_21 = vector.shape_cast %reduce_sum3A_20 : vector<1xf32> to vector<1x1x1xf32>
    %reduce_sum3A_22 = vector.extract %reduce_sum3A_21[0, 0, 0] : f32 from vector<1x1x1xf32>
    %div3A_23 = arith.constant 1.024000e+03 : f32
    %div3A_24 = arith.divf %reduce_sum3A_22, %div3A_23 : f32
    %max3A_25 = arith.constant 1.000000e+00 : f32
    %max3A_26 = vector.broadcast %max3A_25 : f32 to vector<1x1024xf32>
    %max3A_27 = arith.maximumf %broadcast_in_dim3A_15, %max3A_26 : vector<1x1024xf32>
    %div3A_28 = arith.divf %broadcast_in_dim3A_11, %max3A_27 : vector<1x1024xf32>
    %reduce_sum3A_29 = vector.shape_cast %div3A_28 : vector<1x1024xf32> to vector<1x1x1024xf32>
    %reduce_sum3A_30 = arith.constant dense<0.000000e+00> : vector<1xf32>
    %reduce_sum3A_31 = vector.multi_reduction <add>, %reduce_sum3A_29, %reduce_sum3A_30 [1, 2] : vector<1x1x1024xf32> to vector<1xf32>
    %reduce_sum3A_32 = vector.shape_cast %reduce_sum3A_31 : vector<1xf32> to vector<1x1x1xf32>
    %reduce_sum3A_33 = vector.extract %reduce_sum3A_32[0, 0, 0] : f32 from vector<1x1x1xf32>
    %div3A_34 = arith.constant 1.024000e+03 : f32
    %div3A_35 = arith.divf %reduce_sum3A_33, %div3A_34 : f32
    %get3A_36 = arith.constant 0 : index
    %get3A_37 = arith.constant 0 : index
    %get3A_38 = vector.load %arg2[%get3A_36, %get3A_37] : memref<16x1024xf32, #tpu.memory_space<vmem>>, vector<16x1024xf32>
    %slice3A_39 = vector.extract_strided_slice %get3A_38 {offsets = [0, 0], sizes = [8, 1024], strides = [1, 1]} : vector<16x1024xf32> to vector<8x1024xf32>
    %slice3A_40 = vector.extract_strided_slice %get3A_38 {offsets = [8, 0], sizes = [8, 1024], strides = [1, 1]} : vector<16x1024xf32> to vector<8x1024xf32>
    %add3A = arith.constant 9.99999997E-7 : f32
    %add3A_41 = vector.broadcast %add3A : f32 to vector<8x1024xf32>
    %add3A_42 = arith.addf %slice3A_40, %add3A_41 : vector<8x1024xf32>
    %get3A_43 = arith.constant 0 : index
    %get3A_44 = arith.constant 0 : index
    %get3A_45 = vector.load %arg1[%get3A_43, %get3A_44] : memref<8x1024xf32, #tpu.memory_space<vmem>>, vector<8x1024xf32>
    %sub3A = arith.subf %get3A_45, %slice3A_39 : vector<8x1024xf32>
    %sub3A_46 = arith.subf %get3A_45, %slice3A_39 : vector<8x1024xf32>
    %mul3A = arith.mulf %sub3A, %sub3A_46 : vector<8x1024xf32>
    %neg3A = arith.constant 0.000000e+00 : f32
    %neg3A_47 = vector.broadcast %neg3A : f32 to vector<8x1024xf32>
    %neg3A_48 = arith.subf %neg3A_47, %add3A_42 : vector<8x1024xf32>
    %exp3A = math.exp %neg3A_48 : vector<8x1024xf32>
    %mul3A_49 = arith.mulf %mul3A, %exp3A : vector<8x1024xf32>
    %add3A_50 = arith.addf %add3A_42, %mul3A_49 : vector<8x1024xf32>
    %mul3A_51 = arith.constant 5.000000e-01 : f32
    %mul3A_52 = vector.broadcast %mul3A_51 : f32 to vector<8x1024xf32>
    %mul3A_53 = arith.mulf %mul3A_52, %add3A_50 : vector<8x1024xf32>
    %reduce_sum3A_54 = vector.shape_cast %mul3A_53 : vector<8x1024xf32> to vector<1x8x1024xf32>
    %reduce_sum3A_55 = arith.constant dense<0.000000e+00> : vector<1xf32>
    %reduce_sum3A_56 = vector.multi_reduction <add>, %reduce_sum3A_54, %reduce_sum3A_55 [1, 2] : vector<1x8x1024xf32> to vector<1xf32>
    %reduce_sum3A_57 = vector.shape_cast %reduce_sum3A_56 : vector<1xf32> to vector<1x1x1xf32>
    %reduce_sum3A_58 = vector.extract %reduce_sum3A_57[0, 0, 0] : f32 from vector<1x1x1xf32>
    %div3A_59 = arith.constant 1.024000e+03 : f32
    %div3A_60 = arith.divf %reduce_sum3A_58, %div3A_59 : f32
    %iota3A = tpu.iota {dimensions = array<i32: 0>} : vector<8x128xi32>
    %iota3A_61 = tpu.iota {dimensions = array<i32: 1>} : vector<8x128xi32>
    %eq3A = arith.constant 0 : i32
    %eq3A_62 = vector.broadcast %eq3A : i32 to vector<8x128xi32>
    %eq3A_63 = arith.cmpi eq, %iota3A, %eq3A_62 : vector<8x128xi32>
    %eq3A_64 = arith.constant 0 : i32
    %eq3A_65 = vector.broadcast %eq3A_64 : i32 to vector<8x128xi32>
    %eq3A_66 = arith.cmpi eq, %iota3A_61, %eq3A_65 : vector<8x128xi32>
    %and3A = arith.andi %eq3A_63, %eq3A_66 : vector<8x128xi1>
    %jit3A = arith.constant 0.000000e+00 : f32
    %broadcast_in_dim3A_67 = vector.broadcast %div3A_24 : f32 to vector<8x128xf32>
    %broadcast_in_dim3A_68 = vector.broadcast %jit3A : f32 to vector<8x128xf32>
    %select_n3A = arith.select %and3A, %broadcast_in_dim3A_67, %broadcast_in_dim3A_68 : vector<8x128xi1>, vector<8x128xf32>
    %eq3A_69 = arith.constant 0 : i32
    %eq3A_70 = vector.broadcast %eq3A_69 : i32 to vector<8x128xi32>
    %eq3A_71 = arith.cmpi eq, %iota3A, %eq3A_70 : vector<8x128xi32>
    %eq3A_72 = arith.constant 1 : i32
    %eq3A_73 = vector.broadcast %eq3A_72 : i32 to vector<8x128xi32>
    %eq3A_74 = arith.cmpi eq, %iota3A_61, %eq3A_73 : vector<8x128xi32>
    %and3A_75 = arith.andi %eq3A_71, %eq3A_74 : vector<8x128xi1>
    %jit3A_76 = arith.constant 0.000000e+00 : f32
    %broadcast_in_dim3A_77 = vector.broadcast %div3A_35 : f32 to vector<8x128xf32>
    %broadcast_in_dim3A_78 = vector.broadcast %jit3A_76 : f32 to vector<8x128xf32>
    %select_n3A_79 = arith.select %and3A_75, %broadcast_in_dim3A_77, %broadcast_in_dim3A_78 : vector<8x128xi1>, vector<8x128xf32>
    %add3A_80 = arith.addf %select_n3A, %select_n3A_79 : vector<8x128xf32>
    %eq3A_81 = arith.constant 0 : i32
    %eq3A_82 = vector.broadcast %eq3A_81 : i32 to vector<8x128xi32>
    %eq3A_83 = arith.cmpi eq, %iota3A, %eq3A_82 : vector<8x128xi32>
    %eq3A_84 = arith.constant 2 : i32
    %eq3A_85 = vector.broadcast %eq3A_84 : i32 to vector<8x128xi32>
    %eq3A_86 = arith.cmpi eq, %iota3A_61, %eq3A_85 : vector<8x128xi32>
    %and3A_87 = arith.andi %eq3A_83, %eq3A_86 : vector<8x128xi1>
    %jit3A_88 = arith.constant 0.000000e+00 : f32
    %broadcast_in_dim3A_89 = vector.broadcast %div3A_60 : f32 to vector<8x128xf32>
    %broadcast_in_dim3A_90 = vector.broadcast %jit3A_88 : f32 to vector<8x128xf32>
    %select_n3A_91 = arith.select %and3A_87, %broadcast_in_dim3A_89, %broadcast_in_dim3A_90 : vector<8x128xi1>, vector<8x128xf32>
    %add3A_92 = arith.addf %add3A_80, %select_n3A_91 : vector<8x128xf32>
    %swap3A = arith.constant 0 : index
    %swap3A_93 = arith.constant 0 : index
    %swap3A_94 = vector.load %arg3[%swap3A, %swap3A_93] : memref<8x128xf32, #tpu.memory_space<vmem>>, vector<8x128xf32>
    tpu.vector_store %arg3[%swap3A, %swap3A_93], %add3A_92 {strides = array<i32>} : memref<8x128xf32, #tpu.memory_space<vmem>>, vector<8x128xf32>,
    return
  }
}

module attributes {stable_mosaic.version = 14 : i64} {
  func.func @_k1_body(%arg0: i32, %arg1: memref<51x1024xf32, #tpu.memory_space<vmem>>, %arg2: memref<102x1024xf32, #tpu.memory_space<vmem>>, %arg3: memref<8x1024xf32, #tpu.memory_space<vmem>>, %arg4: memref<16x1024xf32, #tpu.memory_space<vmem>>, %arg5: memref<1024xf32, #tpu.memory_space<vmem>>, %arg6: memref<1024xf32, #tpu.memory_space<vmem>>) attributes {dimension_semantics = [#tpu.dimension_semantics<arbitrary>], iteration_bounds = array<i64: 256>, scalar_prefetch = 0 : i64, scratch_operands = 0 : i64, tpu.core_type = #tpu.core_type<tc>, window_params = [{transform_indices = @transform_0, window_bounds = array<i64: 51, 1024>}, {transform_indices = @transform_1, window_bounds = array<i64: 102, 1024>}, {transform_indices = @transform_2, window_bounds = array<i64: 8, 1024>}, {transform_indices = @transform_3, window_bounds = array<i64: 16, 1024>}, {transform_indices = @transform_4, window_bounds = array<i64: 1024>}, {transform_indices = @transform_5, window_bounds = array<i64: 1024>}]} {
    %get3A = arith.constant 0 : index
    %get3A_0 = arith.constant 0 : index
    %get3A_1 = vector.load %arg2[%get3A, %get3A_0] : memref<102x1024xf32, #tpu.memory_space<vmem>>, vector<102x1024xf32>
    %slice3A = vector.extract_strided_slice %get3A_1 {offsets = [0, 0], sizes = [51, 1024], strides = [1, 1]} : vector<102x1024xf32> to vector<51x1024xf32>
    %neg3A = arith.constant 0.000000e+00 : f32
    %neg3A_2 = vector.broadcast %neg3A : f32 to vector<51x1024xf32>
    %neg3A_3 = arith.subf %neg3A_2, %slice3A : vector<51x1024xf32>
    %exp3A = math.exp %neg3A_3 : vector<51x1024xf32>
    %add3A = arith.constant 1.000000e+00 : f32
    %add3A_4 = vector.broadcast %add3A : f32 to vector<51x1024xf32>
    %add3A_5 = arith.addf %add3A_4, %exp3A : vector<51x1024xf32>
    %div3A = arith.constant 1.000000e+00 : f32
    %div3A_6 = vector.broadcast %div3A : f32 to vector<51x1024xf32>
    %div3A_7 = arith.divf %div3A_6, %add3A_5 : vector<51x1024xf32>
    %slice3A_8 = vector.extract_strided_slice %get3A_1 {offsets = [51, 0], sizes = [51, 1024], strides = [1, 1]} : vector<102x1024xf32> to vector<51x1024xf32>
    %max3A = arith.constant 0.000000e+00 : f32
    %max3A_9 = vector.broadcast %max3A : f32 to vector<51x1024xf32>
    %max3A_10 = arith.maximumf %slice3A_8, %max3A_9 : vector<51x1024xf32>
    %abs3A = math.absf %slice3A_8 : vector<51x1024xf32>
    %neg3A_11 = arith.constant 0.000000e+00 : f32
    %neg3A_12 = vector.broadcast %neg3A_11 : f32 to vector<51x1024xf32>
    %neg3A_13 = arith.subf %neg3A_12, %abs3A : vector<51x1024xf32>
    %exp3A_14 = math.exp %neg3A_13 : vector<51x1024xf32>
    %add3A_15 = arith.constant 1.000000e+00 : f32
    %add3A_16 = vector.broadcast %add3A_15 : f32 to vector<51x1024xf32>
    %add3A_17 = arith.addf %add3A_16, %exp3A_14 : vector<51x1024xf32>
    %log3A = math.log %add3A_17 : vector<51x1024xf32>
    %add3A_18 = arith.addf %max3A_10, %log3A : vector<51x1024xf32>
    %get3A_19 = arith.constant 0 : index
    %get3A_20 = arith.constant 0 : index
    %get3A_21 = vector.load %arg1[%get3A_19, %get3A_20] : memref<51x1024xf32, #tpu.memory_space<vmem>>, vector<51x1024xf32>
    %jit3A = arith.constant 9.99999997E-7 : f32
    %jit3A_22 = arith.constant 0.999998986 : f32
    %max3A_23 = vector.broadcast %jit3A : f32 to vector<51x1024xf32>
    %max3A_24 = arith.maximumf %max3A_23, %get3A_21 : vector<51x1024xf32>
    %min3A = vector.broadcast %jit3A_22 : f32 to vector<51x1024xf32>
    %min3A_25 = arith.minimumf %min3A, %max3A_24 : vector<51x1024xf32>
    %mul3A = arith.mulf %add3A_18, %div3A_7 : vector<51x1024xf32>
    %sub3A = arith.constant 1.000000e+00 : f32
    %sub3A_26 = vector.broadcast %sub3A : f32 to vector<51x1024xf32>
    %sub3A_27 = arith.subf %sub3A_26, %div3A_7 : vector<51x1024xf32>
    %mul3A_28 = arith.mulf %sub3A_27, %add3A_18 : vector<51x1024xf32>
    %add3A_29 = arith.constant 9.99999997E-7 : f32
    %add3A_30 = vector.broadcast %add3A_29 : f32 to vector<51x1024xf32>
    %add3A_31 = arith.addf %add3A_18, %add3A_30 : vector<51x1024xf32>
    %lt3A = arith.constant 4.000000e+00 : f32
    %lt3A_32 = vector.broadcast %lt3A : f32 to vector<51x1024xf32>
    %lt3A_33 = arith.cmpf olt, %add3A_31, %lt3A_32 : vector<51x1024xf32>
    %jit3A_34 = arith.constant 1.000000e+00 : f32
    %broadcast_in_dim3A = vector.broadcast %jit3A_34 : f32 to vector<51x1024xf32>
    %select_n3A = arith.select %lt3A_33, %add3A_31, %broadcast_in_dim3A : vector<51x1024xi1>, vector<51x1024xf32>
    %add3A_35 = arith.constant 1.000000e+00 : f32
    %add3A_36 = vector.broadcast %add3A_35 : f32 to vector<51x1024xf32>
    %add3A_37 = arith.addf %select_n3A, %add3A_36 : vector<51x1024xf32>
    %mul3A_38 = arith.mulf %select_n3A, %add3A_37 : vector<51x1024xf32>
    %add3A_39 = arith.constant 2.000000e+00 : f32
    %add3A_40 = vector.broadcast %add3A_39 : f32 to vector<51x1024xf32>
    %add3A_41 = arith.addf %select_n3A, %add3A_40 : vector<51x1024xf32>
    %mul3A_42 = arith.mulf %mul3A_38, %add3A_41 : vector<51x1024xf32>
    %add3A_43 = arith.constant 3.000000e+00 : f32
    %add3A_44 = vector.broadcast %add3A_43 : f32 to vector<51x1024xf32>
    %add3A_45 = arith.addf %select_n3A, %add3A_44 : vector<51x1024xf32>
    %mul3A_46 = arith.mulf %mul3A_42, %add3A_45 : vector<51x1024xf32>
    %jit3A_47 = arith.constant 1.000000e+00 : f32
    %broadcast_in_dim3A_48 = vector.broadcast %jit3A_47 : f32 to vector<51x1024xf32>
    %select_n3A_49 = arith.select %lt3A_33, %mul3A_46, %broadcast_in_dim3A_48 : vector<51x1024xi1>, vector<51x1024xf32>
    %add3A_50 = arith.constant 4.000000e+00 : f32
    %add3A_51 = vector.broadcast %add3A_50 : f32 to vector<51x1024xf32>
    %add3A_52 = arith.addf %add3A_31, %add3A_51 : vector<51x1024xf32>
    %select_n3A_53 = arith.select %lt3A_33, %add3A_52, %add3A_31 : vector<51x1024xi1>, vector<51x1024xf32>
    %div3A_54 = arith.constant 1.000000e+00 : f32
    %div3A_55 = vector.broadcast %div3A_54 : f32 to vector<51x1024xf32>
    %div3A_56 = arith.divf %div3A_55, %select_n3A_53 : vector<51x1024xf32>
    %sub3A_57 = arith.constant 5.000000e-01 : f32
    %sub3A_58 = vector.broadcast %sub3A_57 : f32 to vector<51x1024xf32>
    %sub3A_59 = arith.subf %select_n3A_53, %sub3A_58 : vector<51x1024xf32>
    %log3A_60 = math.log %select_n3A_53 : vector<51x1024xf32>
    %mul3A_61 = arith.mulf %sub3A_59, %log3A_60 : vector<51x1024xf32>
    %sub3A_62 = arith.subf %mul3A_61, %select_n3A_53 : vector<51x1024xf32>
    %mul3A_63 = arith.mulf %div3A_56, %div3A_56 : vector<51x1024xf32>
    %mul3A_64 = arith.constant 0.00277777785 : f32
    %mul3A_65 = vector.broadcast %mul3A_64 : f32 to vector<51x1024xf32>
    %mul3A_66 = arith.mulf %mul3A_63, %mul3A_65 : vector<51x1024xf32>
    %sub3A_67 = arith.constant 0.0833333358 : f32
    %sub3A_68 = vector.broadcast %sub3A_67 : f32 to vector<51x1024xf32>
    %sub3A_69 = arith.subf %sub3A_68, %mul3A_66 : vector<51x1024xf32>
    %mul3A_70 = arith.mulf %div3A_56, %sub3A_69 : vector<51x1024xf32>
    %add3A_71 = arith.addf %sub3A_62, %mul3A_70 : vector<51x1024xf32>
    %add3A_72 = arith.constant 9.99999997E-7 : f32
    %add3A_73 = vector.broadcast %add3A_72 : f32 to vector<51x1024xf32>
    %add3A_74 = arith.addf %mul3A, %add3A_73 : vector<51x1024xf32>
    %lt3A_75 = arith.constant 4.000000e+00 : f32
    %lt3A_76 = vector.broadcast %lt3A_75 : f32 to vector<51x1024xf32>
    %lt3A_77 = arith.cmpf olt, %add3A_74, %lt3A_76 : vector<51x1024xf32>
    %jit3A_78 = arith.constant 1.000000e+00 : f32
    %broadcast_in_dim3A_79 = vector.broadcast %jit3A_78 : f32 to vector<51x1024xf32>
    %select_n3A_80 = arith.select %lt3A_77, %add3A_74, %broadcast_in_dim3A_79 : vector<51x1024xi1>, vector<51x1024xf32>
    %add3A_81 = arith.constant 1.000000e+00 : f32
    %add3A_82 = vector.broadcast %add3A_81 : f32 to vector<51x1024xf32>
    %add3A_83 = arith.addf %select_n3A_80, %add3A_82 : vector<51x1024xf32>
    %mul3A_84 = arith.mulf %select_n3A_80, %add3A_83 : vector<51x1024xf32>
    %add3A_85 = arith.constant 2.000000e+00 : f32
    %add3A_86 = vector.broadcast %add3A_85 : f32 to vector<51x1024xf32>
    %add3A_87 = arith.addf %select_n3A_80, %add3A_86 : vector<51x1024xf32>
    %mul3A_88 = arith.mulf %mul3A_84, %add3A_87 : vector<51x1024xf32>
    %add3A_89 = arith.constant 3.000000e+00 : f32
    %add3A_90 = vector.broadcast %add3A_89 : f32 to vector<51x1024xf32>
    %add3A_91 = arith.addf %select_n3A_80, %add3A_90 : vector<51x1024xf32>
    %mul3A_92 = arith.mulf %mul3A_88, %add3A_91 : vector<51x1024xf32>
    %jit3A_93 = arith.constant 1.000000e+00 : f32
    %broadcast_in_dim3A_94 = vector.broadcast %jit3A_93 : f32 to vector<51x1024xf32>
    %select_n3A_95 = arith.select %lt3A_77, %mul3A_92, %broadcast_in_dim3A_94 : vector<51x1024xi1>, vector<51x1024xf32>
    %add3A_96 = arith.constant 4.000000e+00 : f32
    %add3A_97 = vector.broadcast %add3A_96 : f32 to vector<51x1024xf32>
    %add3A_98 = arith.addf %add3A_74, %add3A_97 : vector<51x1024xf32>
    %select_n3A_99 = arith.select %lt3A_77, %add3A_98, %add3A_74 : vector<51x1024xi1>, vector<51x1024xf32>
    %div3A_100 = arith.constant 1.000000e+00 : f32
    %div3A_101 = vector.broadcast %div3A_100 : f32 to vector<51x1024xf32>
    %div3A_102 = arith.divf %div3A_101, %select_n3A_99 : vector<51x1024xf32>
    %sub3A_103 = arith.constant 5.000000e-01 : f32
    %sub3A_104 = vector.broadcast %sub3A_103 : f32 to vector<51x1024xf32>
    %sub3A_105 = arith.subf %select_n3A_99, %sub3A_104 : vector<51x1024xf32>
    %log3A_106 = math.log %select_n3A_99 : vector<51x1024xf32>
    %mul3A_107 = arith.mulf %sub3A_105, %log3A_106 : vector<51x1024xf32>
    %sub3A_108 = arith.subf %mul3A_107, %select_n3A_99 : vector<51x1024xf32>
    %mul3A_109 = arith.mulf %div3A_102, %div3A_102 : vector<51x1024xf32>
    %mul3A_110 = arith.constant 0.00277777785 : f32
    %mul3A_111 = vector.broadcast %mul3A_110 : f32 to vector<51x1024xf32>
    %mul3A_112 = arith.mulf %mul3A_109, %mul3A_111 : vector<51x1024xf32>
    %sub3A_113 = arith.constant 0.0833333358 : f32
    %sub3A_114 = vector.broadcast %sub3A_113 : f32 to vector<51x1024xf32>
    %sub3A_115 = arith.subf %sub3A_114, %mul3A_112 : vector<51x1024xf32>
    %mul3A_116 = arith.mulf %div3A_102, %sub3A_115 : vector<51x1024xf32>
    %add3A_117 = arith.addf %sub3A_108, %mul3A_116 : vector<51x1024xf32>
    %add3A_118 = arith.constant 9.99999997E-7 : f32
    %add3A_119 = vector.broadcast %add3A_118 : f32 to vector<51x1024xf32>
    %add3A_120 = arith.addf %mul3A_28, %add3A_119 : vector<51x1024xf32>
    %lt3A_121 = arith.constant 4.000000e+00 : f32
    %lt3A_122 = vector.broadcast %lt3A_121 : f32 to vector<51x1024xf32>
    %lt3A_123 = arith.cmpf olt, %add3A_120, %lt3A_122 : vector<51x1024xf32>
    %jit3A_124 = arith.constant 1.000000e+00 : f32
    %broadcast_in_dim3A_125 = vector.broadcast %jit3A_124 : f32 to vector<51x1024xf32>
    %select_n3A_126 = arith.select %lt3A_123, %add3A_120, %broadcast_in_dim3A_125 : vector<51x1024xi1>, vector<51x1024xf32>
    %add3A_127 = arith.constant 1.000000e+00 : f32
    %add3A_128 = vector.broadcast %add3A_127 : f32 to vector<51x1024xf32>
    %add3A_129 = arith.addf %select_n3A_126, %add3A_128 : vector<51x1024xf32>
    %mul3A_130 = arith.mulf %select_n3A_126, %add3A_129 : vector<51x1024xf32>
    %add3A_131 = arith.constant 2.000000e+00 : f32
    %add3A_132 = vector.broadcast %add3A_131 : f32 to vector<51x1024xf32>
    %add3A_133 = arith.addf %select_n3A_126, %add3A_132 : vector<51x1024xf32>
    %mul3A_134 = arith.mulf %mul3A_130, %add3A_133 : vector<51x1024xf32>
    %add3A_135 = arith.constant 3.000000e+00 : f32
    %add3A_136 = vector.broadcast %add3A_135 : f32 to vector<51x1024xf32>
    %add3A_137 = arith.addf %select_n3A_126, %add3A_136 : vector<51x1024xf32>
    %mul3A_138 = arith.mulf %mul3A_134, %add3A_137 : vector<51x1024xf32>
    %jit3A_139 = arith.constant 1.000000e+00 : f32
    %broadcast_in_dim3A_140 = vector.broadcast %jit3A_139 : f32 to vector<51x1024xf32>
    %select_n3A_141 = arith.select %lt3A_123, %mul3A_138, %broadcast_in_dim3A_140 : vector<51x1024xi1>, vector<51x1024xf32>
    %add3A_142 = arith.constant 4.000000e+00 : f32
    %add3A_143 = vector.broadcast %add3A_142 : f32 to vector<51x1024xf32>
    %add3A_144 = arith.addf %add3A_120, %add3A_143 : vector<51x1024xf32>
    %select_n3A_145 = arith.select %lt3A_123, %add3A_144, %add3A_120 : vector<51x1024xi1>, vector<51x1024xf32>
    %div3A_146 = arith.constant 1.000000e+00 : f32
    %div3A_147 = vector.broadcast %div3A_146 : f32 to vector<51x1024xf32>
    %div3A_148 = arith.divf %div3A_147, %select_n3A_145 : vector<51x1024xf32>
    %sub3A_149 = arith.constant 5.000000e-01 : f32
    %sub3A_150 = vector.broadcast %sub3A_149 : f32 to vector<51x1024xf32>
    %sub3A_151 = arith.subf %select_n3A_145, %sub3A_150 : vector<51x1024xf32>
    %log3A_152 = math.log %select_n3A_145 : vector<51x1024xf32>
    %mul3A_153 = arith.mulf %sub3A_151, %log3A_152 : vector<51x1024xf32>
    %sub3A_154 = arith.subf %mul3A_153, %select_n3A_145 : vector<51x1024xf32>
    %mul3A_155 = arith.mulf %div3A_148, %div3A_148 : vector<51x1024xf32>
    %mul3A_156 = arith.constant 0.00277777785 : f32
    %mul3A_157 = vector.broadcast %mul3A_156 : f32 to vector<51x1024xf32>
    %mul3A_158 = arith.mulf %mul3A_155, %mul3A_157 : vector<51x1024xf32>
    %sub3A_159 = arith.constant 0.0833333358 : f32
    %sub3A_160 = vector.broadcast %sub3A_159 : f32 to vector<51x1024xf32>
    %sub3A_161 = arith.subf %sub3A_160, %mul3A_158 : vector<51x1024xf32>
    %mul3A_162 = arith.mulf %div3A_148, %sub3A_161 : vector<51x1024xf32>
    %add3A_163 = arith.addf %sub3A_154, %mul3A_162 : vector<51x1024xf32>
    %sub3A_164 = arith.subf %add3A_71, %add3A_117 : vector<51x1024xf32>
    %sub3A_165 = arith.subf %sub3A_164, %add3A_163 : vector<51x1024xf32>
    %sub3A_166 = arith.constant 0.918938517 : f32
    %sub3A_167 = vector.broadcast %sub3A_166 : f32 to vector<51x1024xf32>
    %sub3A_168 = arith.subf %sub3A_165, %sub3A_167 : vector<51x1024xf32>
    %mul3A_169 = arith.mulf %select_n3A_95, %select_n3A_141 : vector<51x1024xf32>
    %div3A_170 = arith.divf %select_n3A_49, %mul3A_169 : vector<51x1024xf32>
    %log3A_171 = math.log %div3A_170 : vector<51x1024xf32>
    %sub3A_172 = arith.subf %sub3A_168, %log3A_171 : vector<51x1024xf32>
    %log3A_173 = math.log %min3A_25 : vector<51x1024xf32>
    %mul3A_174 = arith.mulf %mul3A, %log3A_173 : vector<51x1024xf32>
    %add3A_175 = arith.addf %sub3A_172, %mul3A_174 : vector<51x1024xf32>
    %sub3A_176 = arith.constant 1.000000e+00 : f32
    %sub3A_177 = vector.broadcast %sub3A_176 : f32 to vector<51x1024xf32>
    %sub3A_178 = arith.subf %mul3A_28, %sub3A_177 : vector<51x1024xf32>
    %sub3A_179 = arith.constant 1.000000e+00 : f32
    %sub3A_180 = vector.broadcast %sub3A_179 : f32 to vector<51x1024xf32>
    %sub3A_181 = arith.subf %sub3A_180, %min3A_25 : vector<51x1024xf32>
    %log3A_182 = math.log %sub3A_181 : vector<51x1024xf32>
    %mul3A_183 = arith.mulf %sub3A_178, %log3A_182 : vector<51x1024xf32>
    %add3A_184 = arith.addf %add3A_175, %mul3A_183 : vector<51x1024xf32>
    %broadcast_in_dim3A_185 = arith.constant -0.0196078438 : f32
    %broadcast_in_dim3A_186 = vector.broadcast %broadcast_in_dim3A_185 : f32 to vector<1x51xf32>
    %dot_general3A = arith.constant dense<0.000000e+00> : vector<1x1024xf32>
    %dot_general3A_187 = tpu.matmul %broadcast_in_dim3A_186, %add3A_184, %dot_general3A {dimension_numbers = #tpu.dot_dimension_numbers<[1], [0], [0], [1], [0, 0, 1, 1], [], []>, transpose_lhs_hint = false} : vector<1x51xf32>, vector<51x1024xf32>, vector<1x1024xf32> -> vector<1x1024xf32>
    %reshape3A = vector.shape_cast %dot_general3A_187 : vector<1x1024xf32> to vector<1024xf32>
    %swap3A = arith.constant 0 : index
    %swap3A_188 = vector.load %arg5[%swap3A] : memref<1024xf32, #tpu.memory_space<vmem>>, vector<1024xf32>
    tpu.vector_store %arg5[%swap3A], %reshape3A {strides = array<i32>} : memref<1024xf32, #tpu.memory_space<vmem>>, vector<1024xf32>,
    %get3A_189 = arith.constant 0 : index
    %get3A_190 = arith.constant 0 : index
    %get3A_191 = vector.load %arg4[%get3A_189, %get3A_190] : memref<16x1024xf32, #tpu.memory_space<vmem>>, vector<16x1024xf32>
    %slice3A_192 = vector.extract_strided_slice %get3A_191 {offsets = [0, 0], sizes = [8, 1024], strides = [1, 1]} : vector<16x1024xf32> to vector<8x1024xf32>
    %slice3A_193 = vector.extract_strided_slice %get3A_191 {offsets = [8, 0], sizes = [8, 1024], strides = [1, 1]} : vector<16x1024xf32> to vector<8x1024xf32>
    %add3A_194 = arith.constant 9.99999997E-7 : f32
    %add3A_195 = vector.broadcast %add3A_194 : f32 to vector<8x1024xf32>
    %add3A_196 = arith.addf %slice3A_193, %add3A_195 : vector<8x1024xf32>
    %get3A_197 = arith.constant 0 : index
    %get3A_198 = arith.constant 0 : index
    %get3A_199 = vector.load %arg3[%get3A_197, %get3A_198] : memref<8x1024xf32, #tpu.memory_space<vmem>>, vector<8x1024xf32>
    %sub3A_200 = arith.subf %get3A_199, %slice3A_192 : vector<8x1024xf32>
    %sub3A_201 = arith.subf %get3A_199, %slice3A_192 : vector<8x1024xf32>
    %mul3A_202 = arith.mulf %sub3A_200, %sub3A_201 : vector<8x1024xf32>
    %neg3A_203 = arith.constant 0.000000e+00 : f32
    %neg3A_204 = vector.broadcast %neg3A_203 : f32 to vector<8x1024xf32>
    %neg3A_205 = arith.subf %neg3A_204, %add3A_196 : vector<8x1024xf32>
    %exp3A_206 = math.exp %neg3A_205 : vector<8x1024xf32>
    %mul3A_207 = arith.mulf %mul3A_202, %exp3A_206 : vector<8x1024xf32>
    %add3A_208 = arith.addf %add3A_196, %mul3A_207 : vector<8x1024xf32>
    %mul3A_209 = arith.constant 5.000000e-01 : f32
    %mul3A_210 = vector.broadcast %mul3A_209 : f32 to vector<8x1024xf32>
    %mul3A_211 = arith.mulf %mul3A_210, %add3A_208 : vector<8x1024xf32>
    %broadcast_in_dim3A_212 = arith.constant 1.000000e+00 : f32
    %broadcast_in_dim3A_213 = vector.broadcast %broadcast_in_dim3A_212 : f32 to vector<1x8xf32>
    %dot_general3A_214 = arith.constant dense<0.000000e+00> : vector<1x1024xf32>
    %dot_general3A_215 = tpu.matmul %broadcast_in_dim3A_213, %mul3A_211, %dot_general3A_214 {dimension_numbers = #tpu.dot_dimension_numbers<[1], [0], [0], [1], [0, 0, 1, 1], [], []>, transpose_lhs_hint = false} : vector<1x8xf32>, vector<8x1024xf32>, vector<1x1024xf32> -> vector<1x1024xf32>
    %reshape3A_216 = vector.shape_cast %dot_general3A_215 : vector<1x1024xf32> to vector<1024xf32>
    %swap3A_217 = arith.constant 0 : index
    %swap3A_218 = vector.load %arg6[%swap3A_217] : memref<1024xf32, #tpu.memory_space<vmem>>, vector<1024xf32>
    tpu.vector_store %arg6[%swap3A_217], %reshape3A_216 {strides = array<i32>} : memref<1024xf32, #tpu.memory_space<vmem>>, vector<1024xf32>,
    return
  }
  func.func @transform_0(%arg0: i32) -> (i32, i32) {
    %c0_i32 = arith.constant 0 : i32
    %c0_i32_0 = arith.constant 0 : i32
    return %c0_i32, %arg0 : i32, i32
  }
  func.func @transform_1(%arg0: i32) -> (i32, i32) {
    %c0_i32 = arith.constant 0 : i32
    %c0_i32_0 = arith.constant 0 : i32
    return %c0_i32, %arg0 : i32, i32
  }
  func.func @transform_2(%arg0: i32) -> (i32, i32) {
    %c0_i32 = arith.constant 0 : i32
    %c0_i32_0 = arith.constant 0 : i32
    return %c0_i32, %arg0 : i32, i32
  }
  func.func @transform_3(%arg0: i32) -> (i32, i32) {
    %c0_i32 = arith.constant 0 : i32
    %c0_i32_0 = arith.constant 0 : i32
    return %c0_i32, %arg0 : i32, i32
  }
  func.func @transform_4(%arg0: i32) -> i32 {
    %c0_i32 = arith.constant 0 : i32
    return %arg0 : i32
  }
  func.func @transform_5(%arg0: i32) -> i32 {
    %c0_i32 = arith.constant 0 : i32
    return %arg0 : i32
  }
}

</mosaic_0001>

<sc_bundles>
// kernel: kernel.5.cloned.1.call-start
scs
__scs_entry_jumppad:
0x0: {  	(pc) =	sbr.rel $0x88, $3  }
0x1: {  	(tag) =	ssettag $0x0;
	lr =	simm.s32 $0x1  }
0x2: {  	[smem:$0x3F99] =	sst lr;
	_ =	strace $0xD0000000  }
0x3: {  	_ = 	snop  }
0x4: {  	_ = 	snop  }
0x5: {  	_ = 	snop  }
0x6: {  	_ = 	snop  }
0x7: {  	_ = 	snop  }
__scs_overlays_trampoline_lowered:
0x8: {  	[smem:$0x3FA8] =	sst s0  }
0x9: {  	[smem:$0x3FA9] =	sst s1  }
0xa: {  	[smem:$0x3FAA] =	sst s2  }
0xb: {  	[smem:$0x3FAB] =	sst s3  }
0xc: {  	[smem:$0x3FAC] =	sst s4  }
0xd: {  	[smem:$0x3FAD] =	sst s5  }
0xe: {  	[smem:$0x3FAE] =	sst s6  }
0xf: {  	[smem:$0x3FAF] =	sst s7  }
0x10: {  	[smem:$0x3FB0] =	sst s8  }
0x11: {  	[smem:$0x3FB1] =	sst s9;
	s0 =	simm.s32 @!p0 $0x0  }
0x12: {  	s1 =	sld [smem:$0x3F97];
	s0 =	simm.s32 @p0 $0x1  }
0x13: {  	[smem:$0x3FB2] =	sst s0;
	s0 =	simm.s32 @!p1 $0x0  }
0x14: {  	s2 =	sld [smem:$0x3F96];
	s0 =	simm.s32 @p1 $0x1  }
0x15: {  	[smem:$0x3FB3] =	sst s0;
	s0 =	simm.s32 @!p2 $0x0  }
0x16: {  	s3 =	sld [smem:$0x3FDB];
	s0 =	simm.s32 @p2 $0x1  }
0x17: {  	s4 =	simm.s32 $0x1BF5;
	[smem:$0x3FB5] =	sst s0  }
0x18: {  	s0 =	sld [smem:$0x3F98];
	_ =	swait.ge [sflag:s4], $0x0  }
0x19: {  	s7 =	sld [smem:$0x3F99]  }
0x1a: {  	s8 =	sadd.s32 $0xFFFFE003, lr  }
0x1b: {  	s9 =	sadd.s32 $0xFFFFFEF7, lr;
	s5 =	simm.s32 $0xFFFFFFFF;
	p2 =	slt.u32 s8, $0xFFFFF086  }
0x1c: {  	p1 =	slt.u32 s9, $0xF7A;
	s5 =	simm.s32 @!p2 $0x0  }
0x1d: {  	s5 =	simm.s32 @p1 $0x1;
	p0 =	seq.s32 s7, s2  }
0x1e: {  	s7 =	smul.u32 @!p0 $0xF7A, s2;
	p2 =	seq.s32 @!p0 s5, $0x0  }
0x1f: {  	s9 =	smul.u32 $0xF7A, s1;
	s8 =	simm.s32 @!p0 $0x1BF5;
	p2 =	por !p2, p0  }
0x20: {  	[sflag:s8] =	ssyncset.s32 @!p0 $0xFFFFF086;
	s6 =	sadd.s32 @!p0 s3, s7;
	s7 =	simm.s32 @!p0 $0x108  }
0x21: {  	s3 =	sadd.s32 s3, s9;
	s6 =	sadd.s32 @!p0 $0x88, s6;
	s7 =	simm.s32 @p2 $0x1082  }
0x22: {  	[simem:s7], [sflag:s8] =	dma.local @!p0 [hbm:s6], $0xF7A  }
0x23: {  	s9 =	sor.u32 $0xD0000000, s2;
	s6 =	simm.s32 $0x108;
	_ =	swait.ge @!p0 [sflag:s8], $0x0  }
0x24: {  	s3 =	sadd.s32 $0x88, s3;
	s6 =	simm.s32 @!p1 $0x1082;
	[sflag:s4] =	ssyncset.s32 $0xFFFFF086  }
0x25: {  	[simem:s6], [sflag:s4] =	dma.local [hbm:s3], $0xF7A  }
0x26: {  	[smem:$0x3F99] =	sst s1;
	(tag) =	ssettag s2;
	_ =	strace s9  }
0x27: {  	s1 =	sld [smem:$0x3FA9]  }
0x28: {  	s2 =	sld [smem:$0x3FAA]  }
0x29: {  	s4 =	sld [smem:$0x3FAC]  }
0x2a: {  	p0 =	seq.s32 s5, $0x0;
	s5 =	sld [smem:$0x3FAD]  }
0x2b: {  	s6 =	sld [smem:$0x3FAE]  }
0x2c: {  	s7 =	sld [smem:$0x3FAF]  }
0x2d: {  	s3 =	simm.s32 $0x108;
	s8 =	sld [smem:$0x3FB0]  }
0x2e: {  	s3 =	simm.s32 @!p0 $0x1082;
	s9 =	sld [smem:$0x3FB1]  }
0x2f: {  	lr =	sadd.s32 s0, s3;
	s0 =	sld [smem:$0x3FA8]  }
0x30: {  	s3 =	sld [smem:$0x3FAB]  }
0x31: {  	[smem:$0x3FB4] =	sst s10  }
0x32: {  	s10 =	sld [smem:$0x3FB2];
	_ =	sdelay $0x3  }
0x33: {  	p0 =	seq.s32 s10, $0x1;
	s10 =	sld [smem:$0x3FB4];
	_ =	sdelay $0x3  }
0x34: {  	[smem:$0x3FB4] =	sst s10  }
0x35: {  	s10 =	sld [smem:$0x3FB3];
	_ =	sdelay $0x3  }
0x36: {  	p1 =	seq.s32 s10, $0x1;
	s10 =	sld [smem:$0x3FB4];
	_ =	sdelay $0x3  }
0x37: {  	[smem:$0x3FB4] =	sst s10  }
0x38: {  	s10 =	sld [smem:$0x3FB5]  }
0x39: {  	_ = 	snop;
	(pc) =	sbr.ind lr, $3  }
0x3a: {  	_ = 	snop  }
0x3b: {  	_ = 	snop  }
0x3c: {  	p2 =	seq.s32 s10, $0x1;
	s10 =	sld [smem:$0x3FB4]  }
0x3d: {  	_ =	shalt  }
0x3e: {  	_ =	shalt  }
0x3f: {  	_ =	shalt  }
0x40: {  	_ =	shalt  }
0x41: {  	_ =	shalt  }
0x42: {  	_ =	shalt  }
0x43: {  	_ =	shalt  }
0x44: {  	_ =	shalt  }
0x45: {  	_ =	shalt  }
0x46: {  	_ =	shalt  }
0x47: {  	_ =	shalt  }
0x48: {  	_ =	shalt  }
0x49: {  	_ =	shalt  }
0x4a: {  	_ =	shalt  }
0x4b: {  	_ =	shalt  }
0x4c: {  	_ =	shalt  }
0x4d: {  	_ =	shalt  }
0x4e: {  	_ =	shalt  }
0x4f: {  	_ =	shalt  }
0x50: {  	_ =	shalt  }
0x51: {  	_ =	shalt  }
0x52: {  	_ =	shalt  }
0x53: {  	_ =	shalt  }
0x54: {  	_ =	shalt  }
0x55: {  	_ =	shalt  }
0x56: {  	_ =	shalt  }
0x57: {  	_ =	shalt  }
0x58: {  	_ =	shalt  }
0x59: {  	_ =	shalt  }
0x5a: {  	_ =	shalt  }
0x5b: {  	_ =	shalt  }
0x5c: {  	_ =	shalt  }
0x5d: {  	_ =	shalt  }
0x5e: {  	_ =	shalt  }
0x5f: {  	_ =	shalt  }
0x60: {  	_ =	shalt  }
0x61: {  	_ =	shalt  }
0x62: {  	_ =	shalt  }
0x63: {  	_ =	shalt  }
0x64: {  	_ =	shalt  }
0x65: {  	_ =	shalt  }
0x66: {  	_ =	shalt  }
0x67: {  	_ =	shalt  }
0x68: {  	_ =	shalt  }
0x69: {  	_ =	shalt  }
0x6a: {  	_ =	shalt  }
0x6b: {  	_ =	shalt  }
0x6c: {  	_ =	shalt  }
0x6d: {  	_ =	shalt  }
0x6e: {  	_ =	shalt  }
0x6f: {  	_ =	shalt  }
0x70: {  	_ =	shalt  }
0x71: {  	_ =	shalt  }
0x72: {  	_ =	shalt  }
0x73: {  	_ =	shalt  }
0x74: {  	_ =	shalt  }
0x75: {  	_ =	shalt  }
0x76: {  	_ =	shalt  }
0x77: {  	_ =	shalt  }
0x78: {  	_ =	shalt  }
0x79: {  	_ =	shalt  }
0x7a: {  	_ =	shalt  }
0x7b: {  	_ =	shalt  }
0x7c: {  	_ =	shalt  }
0x7d: {  	_ =	shalt  }
0x7e: {  	_ =	shalt  }
0x7f: {  	_ =	shalt  }
0x80: {  	_ =	shalt  }
0x81: {  	_ =	shalt  }
0x82: {  	_ =	shalt  }
0x83: {  	_ =	shalt  }
0x84: {  	_ =	shalt  }
0x85: {  	_ =	shalt  }
0x86: {  	_ =	shalt  }
0x87: {  	_ =	shalt  }
.Lfunc_end0:
.L_simem_size_0:
called_computation_lowered:
.L_overlay_start_0:
0x88: {  	s2 =	sld [smem:$0x3FD9]  }
0x89: {  	s3 =	sld [smem:$0x3FFE];
	_ =	sdelay $0x1  }
0x8a: {  	s1 =	srdreg.scid  }
0x8b: {  	s0 =	sand.u32 $0x1, s1  }
0x8c: {  	s17 =	sshll.u32 s0, $0xA;
	s2 =	sadd.s32 s3, s2  }
0x8d: {  	s2 =	sadd.s32 s2, s17  }
0x8e: {  	[smem:$0x3FC0] =	sst s2  }
0x8f: {  	_ = 	snop  }
0x90: {  	s2 =	sld [smem:$0x3FC7]  }
0x91: {  	s18 =	sld [smem:$0x3FC4];
	(tm) =	ssettm $0x1  }
0x92: {  	s4 =	sld [smem:$0x3FFB];
	_ =	sdelay $0x3  }
0x93: {  	_ =	strace s4  }
0x94: {  	s4 =	sld [smem:$0x3FFC];
	_ =	sdelay $0x3  }
0x95: {  	_ =	strace s4  }
0x96: {  	s4 =	sld [smem:$0x3FFD];
	_ =	sdelay $0x3  }
0x97: {  	_ =	strace s4  }
0x98: {  	_ =	strace $0x8FFFFFFF  }
0x99: {  	s19 =	sld [smem:$0x3FDB];
	_ =	sdelay $0x1  }
0x9a: {  	s5 =	simm.s32 $_scs_section_size  }
0x9b: {  	s6 =	simm.s32 $_size__tile_overlayer_lowered;
	s7 =	simm.s32 $_tile_overlayer_lowered  }
0x9c: {  	s22 =	simm.s32 $0x1BFF;
	s21 =	sshll.u32 s7, $0x1;
	s4 =	sadd.s32 s5, s19  }
0x9d: {  	s8 =	simm.s32 $0x0;
	s20 =	sshll.u32 s6, $0x1;
	s6 =	sadd.s32 s21, s4  }
0x9e: {  	[timem:s8], [sflag:s22] =	dma.local [hbm:s6], s20  }
0x9f: {  	_ =	swait.ge [sflag:s22], s20  }
0xa0: {  	s5 =	ssub.s32 $0x0, s20;
	[sflag:s22] =	ssyncset.done $0x0  }
0xa1: {  	[sflag:s22] =	ssyncadd.s32 s5;
	_ =	sdelay $0x1  }
0xa2: {  	s23 =	simm.s32 $0x1B8B  }
0xa3: {  	_ =	swait.ge [sflag:s23], $0x1  }
0xa4: {  	[sflag:s23] =	ssyncset.done $0x0  }
0xa5: {  	s25 =	simm.s32 $0x1B8E;
	s24 =	sld [smem:$0x3FFE];
	[sflag:s23] =	ssyncadd.s32 $0xFFFFFFFF  }
0xa6: {  	s26 =	simm.s32 $execute0_lowered;
	[smem:$0x3FD2] =	sst s25  }
0xa7: {  	s6 =	sshll.u32 s26, $0x1;
	_ =	strace $0x80000046;
	[dreg:$0x1] =	wrdreg $0xFFFFFFFF  }
0xa8: {  	s28 =	simm.s32 $_size_execute0_lowered;
	s4 =	sadd.s32 s4, s6;
	[dreg:$0x0] =	wrdreg $0x0  }
0xa9: {  	s6 =	sshll.u32 s28, $0x1;
	[dreg:$0x2] =	wrdreg s4  }
0xaa: {  	[dreg:$0x3] =	wrdreg s6  }
0xab: {  	[dreg:$0x4] =	wrdreg $0xC0  }
0xac: {  	_ =	task [dreg:s8], $0x5FFFF  }
0xad: {  	[dreg:$0x1] =	wrdreg $0xFFFFFFFF  }
0xae: {  	[dreg:$0x0] =	wrdreg $0x60  }
0xaf: {  	[dreg:$0x2] =	wrdreg s24  }
0xb0: {  	[dreg:$0x3] =	wrdreg s2  }
0xb1: {  	[dreg:$0x4] =	wrdreg s18  }
0xb2: {  	[dreg:$0x5] =	wrdreg $0x9  }
0xb3: {  	_ =	task.clear_ibuf [dreg:s8], $0x6FFFF;
	_ =	strace $0x90000046  }
0xb4: {  	s29 =	simm.s32 $0x9;
	_ =	strace $0x80000048  }
0xb5: {  	_ =	swait.ge [sflag:s29], $0x1  }
0xb6: {  	[sflag:s29] =	ssyncadd.s32 $0xFFFFFFFF  }
0xb7: {  	_ =	strace $0x90000048  }
0xb8: {  	_ =	sfence  }
0xb9: {  	s30 =	sld [smem:$0x0];
	_ =	sdelay $0x2  }
0xba: {  	s31 =	sshll.u32 s1, $0xD;
	s1 =	sshrl.u32 s1, $0x2  }
0xbb: {  	s3 =	sand.u32 $0x4000, s31;
	s1 =	sadd.s32 s1, s30  }
0xbc: {  	s0 =	sor.u32 s3, s0;
	s1 =	sshll.u32 s1, $0x11  }
0xbd: {  	s0 =	sor.u32 s1, s0  }
0xbe: {  	s0 =	sadd.s32 $0x8F2B, s0  }
0xbf: {  	[sflag:s0] =	ssyncadd.remote.s32 $0x1  }
0xc0: {  	_ =	sfence.sel $0xFFFF  }
0xc1: {  	[dreg:$0x0] =	wrdreg $0xFFFFFFFF;
	(pc) =	sbr.abs _section_cstart, $3  }
0xc2: {  	[dreg:$0x1] =	wrdreg $0xFFFFFFFF  }
0xc3: {  	_ =	task.clear_ibuf [dreg:s8], $0x2FFFF;
	_ =	strace $0x9FFFFFFF  }
0xc4: {  	(tm) =	ssettm $0x7FFFFFFF  }
0xc5: {  	_ =	shalt  }
tec
execute0_lowered:
.L_overlay_start_1:
0x0: {  	(tag) =	ssettag $0x1  }
0x1: {  	v0 =	vimm.s32 $0x2380;
	vm0 =	vcmask $0x300  }
0x2: {  	vm14 =	vcmask $0x704;
	v0 =	vsel vm0, $0x0, v0  }
0x3: {  	s3 =	rddreg [dreg:$0x0];
	vm15 =	vcmask $0xB08;
	v0 =	vsel vm14, $0x80, v0  }
0x4: {  	s4 =	rddreg [dreg:$0x1];
	vm4 =	vcmask $0xF0C;
	v0 =	vsel vm15, $0x100, v0  }
0x5: {  	s6 =	rddreg [dreg:$0x2];
	vm5 =	vcmask $0x1310;
	v0 =	vsel vm4, $0x180, v0  }
0x6: {  	s0 =	rddreg [dreg:$0x3];
	s5 =	srdreg.scid;
	vm6 =	vcmask $0x1714;
	v0 =	vsel vm5, $0x200, v0  }
0x7: {  	s1 =	stileid.u32;
	s2 =	simm.s32 $0x0;
	vm7 =	vcmask $0x1B18;
	s13 =	simm.s32 $0x2000;
	v0 =	vsel vm6, $0x280, v0  }
0x8: {  	vm8 =	vcmask $0x1F1C;
	s14 =	simm.s32 $0x4000;
	s15 =	simm.s32 $0x8000;
	s16 =	simm.s32 $0xC000;
	v0 =	vsel vm7, $0x300, v0  }
0x9: {  	vm9 =	vcmask $0x2320;
	s17 =	simm.s32 $0x10000;
	s5 =	sand.u32 $0x1, s5;
	s7 =	sshll.u32 s1, $0x1;
	v0 =	vsel vm8, $0x380, v0  }
0xa: {  	vm10 =	vcmask $0x2724;
	s18 =	simm.s32 $0x0;
	[smem:$0x7FF] =	sst s2;
	s7 =	sor.u32 s5, s7;
	v0 =	vsel vm9, $0x2000, v0  }
0xb: {  	vm11 =	vcmask $0x2B28;
	_ =	strace $0x80000047;
	s5 =	ssub.s32 $0x2, s5;
	s8 =	sshll.u32 s7, $0xA;
	v0 =	vsel vm10, $0x2080, v0  }
0xc: {  	vm12 =	vcmask $0x2F2C;
	s7 =	sshll.u32 s7, $0xB;
	s10 =	sshrl.u32 s5, $0x1;
	s9 =	sadd.s32 s8, s3;
	v0 =	vsel vm11, $0x2100, v0  }
0xd: {  	vm13 =	vcmask $0x3330;
	s11 =	sadd.s32 s7, s3;
	s12 =	ssub.s32 s5, s10;
	s4 =	sadd.s32 s4, s8;
	v0 =	vsel vm12, $0x2180, v0  }
0xe: {  	vm14 =	vcmask $0x3734;
	s6 =	sadd.s32 s6, s8;
	s3 =	sadd.s32 $0x1200, s9;
	s5 =	sadd.s32 $0x9200, s9;
	v0 =	vsel vm13, $0x2200, v0  }
0xf: {  	vm15 =	vcmask $0x3B38;
	s7 =	sadd.s32 $0x11200, s11;
	s8 =	sadd.s32 $0x21200, s11;
	s9 =	sadd.s32 $0x31200, s11;
	v1 =	vsel vm14, $0x2280, v0  }
0x10: {  	v2 =	vimm.f32 $1.000000000e+00;
	s10 =	sadd.s32 $0x41200, s11;
	s11 =	smax.u32 s12, $0x1;
	s12 =	simm.s32 $0x1;
	v0 =	vimm.f32 $0.0e+00;
	v1 =	vsel vm15, $0x2300, v1  }
.LBB2_1:
0x11: {  	s19 =	sand.u32 $0x70, s2;
	s20 =	simm.s32 $0x0;
	s21 =	sand.u32 $0x1C00, s2  }
0x12: {  	s22 =	simm.s32 $0x0;
	s20 =	sand.u32 $0x2000, s20;
	s19 =	sor.u32 s21, s19  }
0x13: {  	s31 =	sand.u32 $0x380, s22;
	s19 =	sor.u32 s20, s19  }
0x14: {  	s20 =	sor.u32 s31, s19  }
0x15: {  	s21 =	simm.s32 $0x10;
	s22 =	simm.s32 $0x0;
	s19 =	simm.s32 $0x1;
	[tilespmem:s20+$0x10000] =	vst v0  }
.LBB2_2:
0x16: {  	s23 =	sand.u32 $0x70, s21;
	s24 =	sshll.u32 s19, $0x4  }
0x17: {  	[tilespmem:s20+$0x4000] =	vst v0;
	s22 =	sadd.s32 $0x80, s22;
	s25 =	smov.u32 s19;
	p0 =	sne.s32 s19, $0x3FF  }
.Ltmp0:
0x18: {  	s19 =	sadd.s32 $0x1, s19;
	s26 =	sand.u32 $0x1C00, s22;
	[tilespmem:s20+$0x8000] =	vst v0;
	(pc) =	sbr.rel @p0 .LBB2_2-.Ltmp0, $4  }
0x19: {  	s24 =	sand.u32 $0x2000, s24;
	s25 =	sshll.u32 s25, $0x1;
	s23 =	sor.u32 s26, s23;
	[tilespmem:s20+$0xC000] =	vst v0  }
0x1a: {  	s20 =	sand.u32 $0x380, s25;
	s23 =	sor.u32 s24, s23  }
0x1b: {  	s20 =	sor.u32 s20, s23  }
0x1c: {  	s21 =	sadd.s32 $0x10, s21;
	[tilespmem:s20+$0x10000] =	vst v0  }
0x1d: {  	[tilespmem:s20+$0x4000] =	vst v0  }
0x1e: {  	[tilespmem:s20+$0x8000] =	vst v0  }
0x1f: {  	[tilespmem:s20+$0xC000] =	vst v0;
	s19 =	simm.s32 $0x0  }
0x20: {  	[tilespmem:s19], [sflag:$0x1] =	stream.linear.gather [hbm4b:s3+s19], $0x2000, $0x38;
	[tilespmem:$0x14000] =	vst v63  }
0x21: {  	_ =	swait.ge [sflag:s12], $0x2000  }
0x22: {  	[sflag:s12] =	ssyncset.done $0x0  }
0x23: {  	[sflag:s12] =	ssyncadd.s32 $0xFFFFE000  }
0x24: {  	[tilespmem:s13], [sflag:$0x1] =	stream.linear.gather [hbm4b:s4+s19], $0x2000, $0x38;
	[tilespmem:$0x14000] =	vst v63  }
0x25: {  	_ =	swait.ge [sflag:s12], $0x2000  }
0x26: {  	[sflag:s12] =	ssyncset.done $0x0  }
0x27: {  	s20 =	simm.s32 $0x0;
	[sflag:s12] =	ssyncadd.s32 $0xFFFFE000  }
0x28: {  	s19 =	simm.s32 $0x40;
	v3 =	vld [tilespmem:s20+$0x2000]  }
.LBB2_4:
0x29: {  	p0 =	sne.s32 s19, $0x7FC0;
	_ =	sdelay $0x3  }
0x2a: {  	v4 =	vshll.u32 v3, $0x3  }
0x2b: {  	v3 =	vand.u32 $0x7F, v3;
	v4 =	vand.u32 $0xFFFFFC00, v4  }
0x2c: {  	v3 =	vor.u32 v3, v4  }
0x2d: {  	v4 =	vld [tilespmem:s20+$0x0];
	v3 =	vadd.s32 v1, v3;
	_ =	sdelay $0x2  }
.Ltmp1:
0x2e: {  	(pc) =	sbr.rel @p0 .LBB2_4-.Ltmp1, $4  }
0x2f: {  	_ = 	snop  }
0x30: {  	[tilespmem:v3+s14+$0x0] =	vst.idx.add.f32.msk $0xffff, v4  }
0x31: {  	s20 =	sshra.s32 s19, $0x2;
	[tilespmem:v3+s15+$0x0] =	vst.idx.add.f32.msk $0xffff, v2  }
0x32: {  	s19 =	sadd.s32 $0x40, s19;
	v3 =	vld [tilespmem:s20+$0x2000]  }
0x33: {  	_ =	sdelay $0x3  }
0x34: {  	v4 =	vshll.u32 v3, $0x3  }
0x35: {  	v3 =	vand.u32 $0x7F, v3;
	v4 =	vand.u32 $0xFFFFFC00, v4  }
0x36: {  	v3 =	vor.u32 v3, v4  }
0x37: {  	v4 =	vld [tilespmem:s20+$0x0];
	v3 =	vadd.s32 v1, v3;
	_ =	sdelay $0x4  }
0x38: {  	[tilespmem:v3+s14+$0x0] =	vst.idx.add.f32.msk $0xffff, v4  }
0x39: {  	s19 =	simm.s32 $0x0;
	[tilespmem:v3+s15+$0x0] =	vst.idx.add.f32.msk $0xffff, v2  }
0x3a: {  	[tilespmem:s19], [sflag:$0x1] =	stream.linear.gather [hbm4b:s5+s19], $0x2000, $0x38;
	[tilespmem:$0x14000] =	vst v63  }
0x3b: {  	_ =	swait.ge [sflag:s12], $0x2000  }
0x3c: {  	[sflag:s12] =	ssyncset.done $0x0  }
0x3d: {  	[sflag:s12] =	ssyncadd.s32 $0xFFFFE000  }
0x3e: {  	[tilespmem:s13], [sflag:$0x1] =	stream.linear.gather [hbm4b:s6+s19], $0x2000, $0x38;
	[tilespmem:$0x14000] =	vst v63  }
0x3f: {  	_ =	swait.ge [sflag:s12], $0x2000  }
0x40: {  	[sflag:s12] =	ssyncset.done $0x0  }
0x41: {  	s20 =	simm.s32 $0x0;
	[sflag:s12] =	ssyncadd.s32 $0xFFFFE000  }
0x42: {  	s19 =	simm.s32 $0x40;
	v3 =	vld [tilespmem:s20+$0x2000]  }
.LBB2_6:
0x43: {  	p0 =	sne.s32 s19, $0x7FC0;
	_ =	sdelay $0x3  }
0x44: {  	v4 =	vshll.u32 v3, $0x3  }
0x45: {  	v3 =	vand.u32 $0x7F, v3;
	v4 =	vand.u32 $0xFFFFFC00, v4  }
0x46: {  	v3 =	vor.u32 v3, v4  }
0x47: {  	v4 =	vld [tilespmem:s20+$0x0];
	v3 =	vadd.s32 v1, v3;
	_ =	sdelay $0x2  }
.Ltmp2:
0x48: {  	(pc) =	sbr.rel @p0 .LBB2_6-.Ltmp2, $4  }
0x49: {  	_ = 	snop  }
0x4a: {  	[tilespmem:v3+s16+$0x0] =	vst.idx.add.f32.msk $0xffff, v4  }
0x4b: {  	s20 =	sshra.s32 s19, $0x2;
	[tilespmem:v3+s17+$0x0] =	vst.idx.add.f32.msk $0xffff, v2  }
0x4c: {  	s19 =	sadd.s32 $0x40, s19;
	v3 =	vld [tilespmem:s20+$0x2000]  }
0x4d: {  	_ =	sdelay $0x3  }
0x4e: {  	v4 =	vshll.u32 v3, $0x3  }
0x4f: {  	v3 =	vand.u32 $0x7F, v3;
	v4 =	vand.u32 $0xFFFFFC00, v4  }
0x50: {  	v3 =	vor.u32 v3, v4  }
0x51: {  	v63 =	vld [tilespmem:s20+$0x0];
	v3 =	vadd.s32 v1, v3;
	_ =	sdelay $0x4  }
0x52: {  	[tilespmem:v3+s16+$0x0] =	vst.idx.add.f32.msk $0xffff, v63  }
0x53: {  	[tilespmem:v3+s17+$0x0] =	vst.idx.add.f32.msk $0xffff, v2  }
0x54: {  	[hbm4b:s7+s2] =	stream.linear.scatter [tilespmem:s14], [sflag:$0x1], $0x4000, $0x38;
	[tilespmem:$0x14000] =	vst v63  }
0x55: {  	_ =	swait.ge [sflag:s12], $0x4000  }
0x56: {  	[sflag:s12] =	ssyncset.done $0x0  }
0x57: {  	[sflag:s12] =	ssyncadd.s32 $0xFFFFC000  }
0x58: {  	[hbm4b:s8+s2] =	stream.linear.scatter [tilespmem:s15], [sflag:$0x1], $0x4000, $0x38;
	[tilespmem:$0x14000] =	vst v63  }
0x59: {  	_ =	swait.ge [sflag:s12], $0x4000  }
0x5a: {  	[sflag:s12] =	ssyncset.done $0x0  }
0x5b: {  	[sflag:s12] =	ssyncadd.s32 $0xFFFFC000  }
0x5c: {  	[hbm4b:s9+s2] =	stream.linear.scatter [tilespmem:s16], [sflag:$0x1], $0x4000, $0x38;
	[tilespmem:$0x14000] =	vst v63  }
0x5d: {  	s18 =	sadd.s32 $0x1, s18;
	_ =	swait.ge [sflag:s12], $0x4000  }
0x5e: {  	p0 =	sne.s32 s18, s11;
	[sflag:s12] =	ssyncset.done $0x0  }
.Ltmp3:
0x5f: {  	[sflag:s12] =	ssyncadd.s32 $0xFFFFC000;
	(pc) =	sbr.rel @p0 .LBB2_1-.Ltmp3, $4  }
0x60: {  	[hbm4b:s10+s2] =	stream.linear.scatter [tilespmem:s17], [sflag:$0x1], $0x4000, $0x38;
	[tilespmem:$0x14000] =	vst v63  }
0x61: {  	_ =	swait.ge [sflag:s12], $0x4000  }
0x62: {  	[sflag:s12] =	ssyncset.done $0x0  }
0x63: {  	[sflag:s12] =	ssyncadd.s32 $0xFFFFC000  }
0x64: {  	_ =	sfence.sel $0x180000  }
0x65: {  	[bflag:$0x0] =	sbarrier.arrive $0xFFFF  }
0x66: {  	p0 =	sne.s32 s1, $0x0;
	_ =	strace $0x90000047  }
0x67: {  	s0 =	sadd.s32 @!p0 $0x100000, s0;
	[bflag:$0x2] =	sbarrier.arrive $0xFFFF  }
0x68: {  	[sflag:s0] =	ssyncadd.tile.s32 @!p0 $0x1;
	_ =	shalt  }
.Lfunc_end2:
_tile_overlayer_lowered:
.L_overlay_start_2:
0x69: {  	(tag) =	ssettag $0x2  }
0x6a: {  	s0 =	rddreg [dreg:$0x0];
	s2 =	stileid.u32  }
0x6b: {  	s1 =	rddreg [dreg:$0x1];
	p0 =	sne.s32 s2, $0x0  }
0x6c: {  	s3 =	rddreg [dreg:$0x2];
	[bflag:$0x3] =	sbarrier.arrive $0xFFFF;
	s2 =	simm.s32 @!p0 $0x1C01  }
0x6d: {  	[timem:s3], [sflag:s2] =	dma.local @!p0 [hbm:s0], s1  }
0x6e: {  	s0 =	simm.s32 @!p0 $0x1  }
0x6f: {  	_ =	swait.ge @!p0 [sflag:s0], s1  }
0x70: {  	s1 =	ssub.s32 @!p0 $0x0, s1;
	[sflag:s0] =	ssyncset.done @!p0 $0x0  }
0x71: {  	[sflag:s0] =	ssyncadd.s32 @!p0 s1  }
0x72: {  	[bflag:$0x3] =	sbarrier.arrive $0xFFFF  }
0x73: {  	_ =	shalt  }

</sc_bundles>
